<compile_context>
chip_gen: v7x
topology: tpu7x:2x2x1
jax: 0.10.2.dev20260603
libtpu: 0.0.44.dev20260713+nightly
codegen_flags: <defaults>
</compile_context>

<pallas_src>
import functools

import jax
import jax.numpy as jnp
from jax import lax
from jax.experimental import pallas as pl
from jax.experimental.pallas import tpu as pltpu
from jax.experimental.pallas import tpu_sc as plsc

NC, NS = 2, 16
NW = NC * NS
N, E, D = 10000, 320000, 128
NB, CH = 125, 80

_mesh = plsc.VectorSubcoreMesh(core_axis_name="c", subcore_axis_name="s")


def _sc_degree(col3):

    @functools.partial(
        pl.kernel,
        out_type=jax.ShapeDtypeStruct((NC * N,), jnp.float32),
        mesh=_mesh,
        scratch_types=[
            pltpu.VMEM((NB, CH), jnp.int32),
            pltpu.VMEM((CH,), jnp.float32),
            pltpu.VMEM((N,), jnp.float32),
            pltpu.VMEM_SHARED((N,), jnp.float32),
            pltpu.SemaphoreType.DMA,
        ],
    )
    def deg_kernel(col_hbm, degp_hbm, cbuf2, ones, zbuf, degs, sem):
        cid = lax.axis_index("c")
        sid = lax.axis_index("s")
        wid = cid * NS + sid

        one_v = jnp.full((16,), 1.0, dtype=jnp.float32)
        zero_v = jnp.zeros((16,), dtype=jnp.float32)

        @pl.loop(0, CH // 16)
        def _(i):
            ones[pl.ds(i * 16, 16)] = one_v

        @pl.loop(0, N // 16)
        def _(i):
            zbuf[pl.ds(i * 16, 16)] = zero_v

        pltpu.sync_copy(zbuf, degs)
        plsc.subcore_barrier()

        pltpu.sync_copy(col_hbm.at[wid], cbuf2)

        @pl.loop(0, 15)
        def _(p):
            for j in range(8):
                pltpu.make_async_copy(
                    ones, degs.at[cbuf2.at[8 * p + j]], sem).start(add=True)
            for j in range(8):
                pltpu.make_async_copy(
                    ones, degs.at[cbuf2.at[8 * p + j]], sem).wait()

        for j in range(120, NB):
            pltpu.make_async_copy(
                ones, degs.at[cbuf2.at[j]], sem).start(add=True)
        for j in range(120, NB):
            pltpu.make_async_copy(
                ones, degs.at[cbuf2.at[j]], sem).wait()

        plsc.subcore_barrier()

        pltpu.sync_copy(degs, zbuf)
        pltpu.sync_copy(zbuf, degp_hbm.at[pl.ds(cid * N, N)])

    return deg_kernel(col3)


def _sc_aggregate(row1, col3, g):
    RPT = 624

    @functools.partial(
        pl.kernel,
        out_type=jax.ShapeDtypeStruct((NC * N, D), jnp.float32),
        mesh=_mesh,
        scratch_types=[
            pltpu.VMEM((NB * CH,), jnp.int32),
            pltpu.VMEM((NB, CH), jnp.int32),
            pltpu.VMEM((CH, D), jnp.float32),
            pltpu.VMEM((CH, D), jnp.float32),
            pltpu.VMEM_SHARED((N, D), jnp.float32),
            pltpu.SemaphoreType.DMA,
            pltpu.SemaphoreType.DMA,
            pltpu.SemaphoreType.DMA,
            pltpu.SemaphoreType.DMA,
        ],
    )
    def agg_kernel(row_hbm, col_hbm, g_hbm, raw_hbm, rbig, cbuf2,
                   gbuf0, gbuf1, aggs, sg0, sg1, ss0, ss1):
        cid = lax.axis_index("c")
        sid = lax.axis_index("s")
        wid = cid * NS + sid

        zero_v = jnp.zeros((16,), dtype=jnp.float32)

        ld_r = pltpu.make_async_copy(
            row_hbm.at[pl.ds(wid * NB * CH, NB * CH)], rbig, sg0)
        ld_c = pltpu.make_async_copy(col_hbm.at[wid], cbuf2, sg1)
        ld_r.start()
        ld_c.start()

        @pl.loop(0, CH)
        def _(i):
            @pl.loop(0, D // 16)
            def _(j):
                gbuf0[i, pl.ds(j * 16, 16)] = zero_v

        row0 = sid * RPT
        zcopies = [(gbuf0, aggs.at[pl.ds(row0 + k * 80, 80)]) for k in range(7)]
        zcopies.append((gbuf0.at[pl.ds(0, 64)], aggs.at[pl.ds(row0 + 560, 64)]))
        zcopies.append((gbuf0.at[pl.ds(0, 16)], aggs.at[pl.ds(NS * RPT, 16)]))
        for grp in (zcopies[:5], zcopies[5:]):
            for s, d in grp:
                pltpu.make_async_copy(s, d, ss0).start()
            for s, d in grp:
                pltpu.make_async_copy(s, d, ss0).wait()

        ld_r.wait()
        ld_c.wait()

        plsc.subcore_barrier()

        def gather(b, buf, sem):
            idx = rbig.at[pl.ds(b * CH, CH)]
            return pltpu.make_async_copy(g_hbm.at[idx], buf, sem)

        def scat(b, buf, sem):
            return pltpu.make_async_copy(buf, aggs.at[cbuf2.at[b]], sem)

        gather(0, gbuf0, sg0).start()
        gather(1, gbuf1, sg1).start()

        @pl.loop(0, (NB - 3) // 2)
        def _(p):
            b0 = 2 * p
            gather(b0, gbuf0, sg0).wait()
            scat(b0, gbuf0, ss0).start(add=True)
            gather(b0 + 1, gbuf1, sg1).wait()
            scat(b0, gbuf0, ss0).wait()
            scat(b0 + 1, gbuf1, ss1).start(add=True)
            gather(b0 + 2, gbuf0, sg0).start()
            scat(b0 + 1, gbuf1, ss1).wait()
            gather(b0 + 3, gbuf1, sg1).start()

        gather(NB - 3, gbuf0, sg0).wait()
        scat(NB - 3, gbuf0, ss0).start(add=True)
        gather(NB - 2, gbuf1, sg1).wait()
        scat(NB - 3, gbuf0, ss0).wait()
        scat(NB - 2, gbuf1, ss1).start(add=True)
        gather(NB - 1, gbuf0, sg0).start()
        scat(NB - 2, gbuf1, ss1).wait()
        gather(NB - 1, gbuf0, sg0).wait()
        scat(NB - 1, gbuf0, ss0).start(add=True)
        scat(NB - 1, gbuf0, ss0).wait()

        plsc.subcore_barrier()

        out0 = cid * N
        chunks = [(row0 + k * 80, 80) for k in range(7)]
        chunks.append((row0 + 560, 64))
        chunks.append((NS * RPT, 16))
        bufs = (gbuf0, gbuf1)
        sems = (ss0, ss1)
        pend = [None, None]
        for k, (r, n) in enumerate(chunks):
            buf, sem = bufs[k % 2], sems[k % 2]
            if pend[k % 2] is not None:
                pltpu.make_async_copy(*pend[k % 2], sem).wait()
            pltpu.sync_copy(aggs.at[pl.ds(r, n)], buf.at[pl.ds(0, n)])
            pltpu.make_async_copy(
                buf.at[pl.ds(0, n)], raw_hbm.at[pl.ds(out0 + r, n)], sem
            ).start()
            pend[k % 2] = (buf.at[pl.ds(0, n)],
                           raw_hbm.at[pl.ds(out0 + r, n)])
        for k in range(2):
            if pend[k] is not None:
                pltpu.make_async_copy(*pend[k], sems[k]).wait()

    return agg_kernel(row1, col3, g)


_GRID = 5
_BM = N // _GRID


def _dis_of(d_ref):
    deg = d_ref[0, :, 0:1] + d_ref[1, :, 0:1]
    return jnp.where(deg > 0, lax.rsqrt(deg), 0.0)


def _mm0g(x, W0, b0, degp):
    def body(x_ref, w_ref, b_ref, d_ref, h_ref, g_ref):
        h = jnp.dot(x_ref[...], w_ref[...],
                    preferred_element_type=jnp.float32) + b_ref[...]
        h_ref[...] = h
        g_ref[...] = h * _dis_of(d_ref)

    return pl.pallas_call(
        body,
        grid=(_GRID,),
        in_specs=[
            pl.BlockSpec((_BM, D), lambda i: (i, 0)),
            pl.BlockSpec((D, D), lambda i: (0, 0)),
            pl.BlockSpec((1, D), lambda i: (0, 0)),
            pl.BlockSpec((NC, _BM, 16), lambda i: (0, i, 0)),
        ],
        out_specs=[pl.BlockSpec((_BM, D), lambda i: (i, 0)),
                   pl.BlockSpec((_BM, D), lambda i: (i, 0))],
        out_shape=[jax.ShapeDtypeStruct((N, D), jnp.float32),
                   jax.ShapeDtypeStruct((N, D), jnp.float32)],
    )(x, W0, b0.reshape(1, D), degp)


def _finale(rawp, degp, h, W1, b1):
    def body(r_ref, d_ref, h_ref, w_ref, b_ref, o_ref):
        agg = r_ref[0] + r_ref[1]
        a = 0.5 * (_dis_of(d_ref) * agg) + 0.5 * h_ref[...]
        nrm = jnp.sqrt(jnp.sum(a * a, axis=1, keepdims=True))
        a = a / jnp.maximum(nrm, 1e-12)
        a = jnp.maximum(a, 0.0)
        o_ref[...] = jnp.dot(a, w_ref[...],
                             preferred_element_type=jnp.float32) + b_ref[...]

    return pl.pallas_call(
        body,
        grid=(_GRID,),
        in_specs=[
            pl.BlockSpec((NC, _BM, D), lambda i: (0, i, 0)),
            pl.BlockSpec((NC, _BM, 16), lambda i: (0, i, 0)),
            pl.BlockSpec((_BM, D), lambda i: (i, 0)),
            pl.BlockSpec((D, D), lambda i: (0, 0)),
            pl.BlockSpec((1, D), lambda i: (0, 0)),
        ],
        out_specs=pl.BlockSpec((_BM, D), lambda i: (i, 0)),
        out_shape=jax.ShapeDtypeStruct((N, D), jnp.float32),
    )(rawp, degp, h, W1, b1.reshape(1, D))


def kernel(x, edge_index, W0, b0, W1, b1):
    row1 = edge_index[0]
    col3 = edge_index[1].reshape(NW, NB, CH)
    degf = _sc_degree(col3)
    degp = jnp.broadcast_to(degf.reshape(NC, N, 1), (NC, N, 16))
    h, g = _mm0g(x, W0, b0, degp)
    rawp = _sc_aggregate(row1, col3, g).reshape(NC, N, D)
    return _finale(rawp, degp, h, W1, b1)

# --- scband reference (transcript-rebuilt; emitter-appended) ---
"""Pipeline reference for scband-gnn-64132451664423 (READ-ONLY COPY).

The authoritative reference and input builder live on the scoring server;
editing this copy changes nothing except your own understanding.
"""

import jax, jax.numpy as jnp
import numpy as np

N, E, D = 10000, 320000, 128
ALPHA, BETA, ALPHA_RES = 0.5, 1.0, 0.0


def _propagate(h, edge_index):
    # GAPPNP with K=1, gnn_type='symmetric': one step of symmetrically-normalized
    # propagation  out = beta*(1-alpha)*A_hat h + alpha*h, plus alpha_res residual.
    n = h.shape[0]
    row = edge_index[0]
    col = edge_index[1]
    ones = jnp.ones(row.shape[0], dtype=h.dtype)
    deg = jax.ops.segment_sum(ones, col, num_segments=n)
    dis = jnp.where(deg > 0, deg ** -0.5, 0.0)
    norm = dis[row] * dis[col]
    msg = norm[:, None] * jnp.take(h, row, axis=0)
    agg = jax.ops.segment_sum(msg, col, num_segments=n)
    out = BETA * ((1.0 - ALPHA) * agg) + ALPHA * h
    out = (1.0 - ALPHA_RES) * out + ALPHA_RES * h
    return out


def setup_inputs(seed: int = 0) -> dict:
    key = jax.random.key(seed)
    ks = jax.random.split(key, 8)
    x = jax.random.normal(ks[0], (N, D), dtype=jnp.float32)
    edge_index = jax.random.randint(ks[1], (2, E), 0, N, dtype=jnp.int32)
    s = 1.0 / np.sqrt(D)
    W0 = jax.random.uniform(ks[2], (D, D), dtype=jnp.float32, minval=-s, maxval=s)
    b0 = jax.random.uniform(ks[3], (D,), dtype=jnp.float32, minval=-s, maxval=s)
    W1 = jax.random.uniform(ks[4], (D, D), dtype=jnp.float32, minval=-s, maxval=s)
    b1 = jax.random.uniform(ks[5], (D,), dtype=jnp.float32, minval=-s, maxval=s)
    return {"x": x, "edge_index": edge_index, "W0": W0, "b0": b0, "W1": W1, "b1": b1}


def reference(x, edge_index, W0, b0, W1, b1):
    # layer 0: Linear -> dropout(eval: identity) -> propagate -> L2 normalize -> relu
    h = x @ W0 + b0
    h = _propagate(h, edge_index)
    nrm = jnp.sqrt(jnp.sum(h * h, axis=1, keepdims=True))
    h = h / jnp.maximum(nrm, 1e-12)
    h = jax.nn.relu(h)
    # layer 1 (final): Linear only
    h = h @ W1 + b1
    return h

if __name__ == "__main__":
    import jax
    _d = setup_inputs()
    print(jax.jit(kernel)(*tuple(_d.values())))

</pallas_src>

<mosaic_0001>
#map = affine_map<(d0, d1) -> (0)>
#map1 = affine_map<(d0, d1) -> (0, 0, 0)>
#map2 = affine_map<(d0, d1) -> (0, 0)>
module attributes {stable_mosaic.version = 14 : i64} {
  func.func @agg_kernel(%arg0: i32, %arg1: i32, %arg2: memref<320000xi32, #tpu.memory_space<hbm>>, %arg3: memref<32x125x80xi32, #tpu.memory_space<hbm>>, %arg4: memref<10000x128xf32, #tpu.memory_space<hbm>>, %arg5: memref<20000x128xf32, #tpu.memory_space<hbm>>, %arg6: memref<10000xi32, #tpu.memory_space<vmem>>, %arg7: memref<125x80xi32, #tpu.memory_space<vmem>>, %arg8: memref<80x128xf32, #tpu.memory_space<vmem>>, %arg9: memref<80x128xf32, #tpu.memory_space<vmem>>, %arg10: memref<10000x128xf32, #tpu.memory_space<vmem_shared>>, %arg11: memref<!tpu.dma_semaphore, #tpu.memory_space<semaphore_mem>>, %arg12: memref<!tpu.dma_semaphore, #tpu.memory_space<semaphore_mem>>, %arg13: memref<!tpu.dma_semaphore, #tpu.memory_space<semaphore_mem>>, %arg14: memref<!tpu.dma_semaphore, #tpu.memory_space<semaphore_mem>>) attributes {dimension_semantics = [#tpu.dimension_semantics<core_parallel>, #tpu.dimension_semantics<subcore_parallel>], iteration_bounds = array<i64: 2, 16>, scalar_prefetch = 0 : i64, scratch_operands = 9 : i64, tpu.core_type = #tpu.core_type<sc_vector_subcore>, window_params = [{transform_indices = #map}, {transform_indices = #map1}, {transform_indices = #map2}, {transform_indices = #map2}]} {
    %mul3A = arith.constant 16 : i32
    %mul3A_0 = arith.muli %arg0, %mul3A : i32
    %add3A = arith.addi %mul3A_0, %arg1 : i32
    %broadcast_in_dim3A = arith.constant 0.000000e+00 : f32
    %broadcast_in_dim3A_1 = vector.broadcast %broadcast_in_dim3A : f32 to vector<16xf32>
    %mul3A_2 = arith.constant 125 : i32
    %mul3A_3 = arith.muli %add3A, %mul3A_2 : i32
    %mul3A_4 = arith.constant 80 : i32
    %mul3A_5 = arith.muli %mul3A_3, %mul3A_4 : i32
    %dma_start3A = tpu.memref_slice %arg2[%mul3A_5] : memref<320000xi32, #tpu.memory_space<hbm>> -> memref<10000xi32, #tpu.memory_space<hbm>>
    %dma_start3A_6 = tpu.memref_slice %arg2[%mul3A_5] : memref<320000xi32, #tpu.memory_space<hbm>> -> memref<10000xi32, #tpu.memory_space<hbm>>
    tpu.enqueue_dma source(%dma_start3A_6 : memref<10000xi32, #tpu.memory_space<hbm>>) target(%arg6 : memref<10000xi32, #tpu.memory_space<vmem>>) target_semaphore(%arg11 : memref<!tpu.dma_semaphore, #tpu.memory_space<semaphore_mem>>)
    %dma_start3A_7 = arith.constant 0 : i32
    %dma_start3A_8 = arith.constant 0 : i32
    %dma_start3A_9 = tpu.memref_slice %arg3[%add3A, %dma_start3A_7, %dma_start3A_8] : memref<32x125x80xi32, #tpu.memory_space<hbm>> -> memref<1x125x80xi32, #tpu.memory_space<hbm>>
    %dma_start3A_10 = tpu.memref_squeeze %dma_start3A_9 : memref<1x125x80xi32, #tpu.memory_space<hbm>> -> memref<125x80xi32, #tpu.memory_space<hbm>>
    %dma_start3A_11 = arith.constant 0 : i32
    %dma_start3A_12 = arith.constant 0 : i32
    %dma_start3A_13 = tpu.memref_slice %arg3[%add3A, %dma_start3A_11, %dma_start3A_12] : memref<32x125x80xi32, #tpu.memory_space<hbm>> -> memref<1x125x80xi32, #tpu.memory_space<hbm>>
    %dma_start3A_14 = tpu.memref_squeeze %dma_start3A_13 : memref<1x125x80xi32, #tpu.memory_space<hbm>> -> memref<125x80xi32, #tpu.memory_space<hbm>>
    tpu.enqueue_dma source(%dma_start3A_14 : memref<125x80xi32, #tpu.memory_space<hbm>>) target(%arg7 : memref<125x80xi32, #tpu.memory_space<vmem>>) target_semaphore(%arg12 : memref<!tpu.dma_semaphore, #tpu.memory_space<semaphore_mem>>)
    %scan3A = arith.constant 0 : i32
    %scan3A_15 = arith.constant 80 : i32
    %scan3A_16 = arith.addi %scan3A, %scan3A_15 : i32
    %scan3A_17 = arith.constant 1 : i32
    scf.for %scan3A_442 = %scan3A to %scan3A_16 step %scan3A_17  : i32 {
      %mul3A_443 = arith.constant 1 : i32
      %mul3A_444 = arith.muli %scan3A_442, %mul3A_443 : i32
      %add3A_445 = arith.constant 0 : i32
      %add3A_446 = arith.addi %add3A_445, %mul3A_444 : i32
      %scan3A_447 = arith.constant 0 : i32
      %scan3A_448 = arith.constant 8 : i32
      %scan3A_449 = arith.addi %scan3A_447, %scan3A_448 : i32
      %scan3A_450 = arith.constant 1 : i32
      scf.for %scan3A_452 = %scan3A_447 to %scan3A_449 step %scan3A_450  : i32 {
        %mul3A_453 = arith.constant 1 : i32
        %mul3A_454 = arith.muli %scan3A_452, %mul3A_453 : i32
        %add3A_455 = arith.constant 0 : i32
        %add3A_456 = arith.addi %add3A_455, %mul3A_454 : i32
        %mul3A_457 = arith.constant 16 : i32
        %mul3A_458 = arith.muli %add3A_456, %mul3A_457 : i32
        %swap3A = arith.index_cast %add3A_446 : i32 to index
        %swap3A_459 = arith.index_cast %mul3A_458 : i32 to index
        %swap3A_460 = tpu.vector_load %arg8[%swap3A, %swap3A_459] {strides = array<i32>} : memref<80x128xf32, #tpu.memory_space<vmem>>, vector<1x16xf32>,
        %swap3A_461 = vector.shape_cast %swap3A_460 : vector<1x16xf32> to vector<16xf32>
        %swap3A_462 = vector.shape_cast %broadcast_in_dim3A_1 : vector<16xf32> to vector<1x16xf32>
        tpu.vector_store %arg8[%swap3A, %swap3A_459], %swap3A_462 {strides = array<i32>} : memref<80x128xf32, #tpu.memory_space<vmem>>, vector<1x16xf32>,
      }
      %scan3A_451 = arith.constant 8 : i32
    }
    %scan3A_18 = arith.constant 80 : i32
    %mul3A_19 = arith.constant 624 : i32
    %mul3A_20 = arith.muli %arg1, %mul3A_19 : i32
    %add3A_21 = arith.constant 0 : i32
    %add3A_22 = arith.addi %mul3A_20, %add3A_21 : i32
    %add3A_23 = arith.constant 80 : i32
    %add3A_24 = arith.addi %mul3A_20, %add3A_23 : i32
    %add3A_25 = arith.constant 160 : i32
    %add3A_26 = arith.addi %mul3A_20, %add3A_25 : i32
    %add3A_27 = arith.constant 240 : i32
    %add3A_28 = arith.addi %mul3A_20, %add3A_27 : i32
    %add3A_29 = arith.constant 320 : i32
    %add3A_30 = arith.addi %mul3A_20, %add3A_29 : i32
    %add3A_31 = arith.constant 400 : i32
    %add3A_32 = arith.addi %mul3A_20, %add3A_31 : i32
    %add3A_33 = arith.constant 480 : i32
    %add3A_34 = arith.addi %mul3A_20, %add3A_33 : i32
    %add3A_35 = arith.constant 560 : i32
    %add3A_36 = arith.addi %mul3A_20, %add3A_35 : i32
    %dma_start3A_37 = arith.constant 0 : i32
    %dma_start3A_38 = tpu.memref_slice %arg10[%add3A_22, %dma_start3A_37] : memref<10000x128xf32, #tpu.memory_space<vmem_shared>> -> memref<80x128xf32, #tpu.memory_space<vmem_shared>>
    %dma_start3A_39 = arith.constant 0 : i32
    %dma_start3A_40 = tpu.memref_slice %arg10[%add3A_22, %dma_start3A_39] : memref<10000x128xf32, #tpu.memory_space<vmem_shared>> -> memref<80x128xf32, #tpu.memory_space<vmem_shared>>
    tpu.enqueue_dma source(%arg8 : memref<80x128xf32, #tpu.memory_space<vmem>>) target(%dma_start3A_40 : memref<80x128xf32, #tpu.memory_space<vmem_shared>>) target_semaphore(%arg13 : memref<!tpu.dma_semaphore, #tpu.memory_space<semaphore_mem>>)
    %dma_start3A_41 = arith.constant 0 : i32
    %dma_start3A_42 = tpu.memref_slice %arg10[%add3A_24, %dma_start3A_41] : memref<10000x128xf32, #tpu.memory_space<vmem_shared>> -> memref<80x128xf32, #tpu.memory_space<vmem_shared>>
    %dma_start3A_43 = arith.constant 0 : i32
    %dma_start3A_44 = tpu.memref_slice %arg10[%add3A_24, %dma_start3A_43] : memref<10000x128xf32, #tpu.memory_space<vmem_shared>> -> memref<80x128xf32, #tpu.memory_space<vmem_shared>>
    tpu.enqueue_dma source(%arg8 : memref<80x128xf32, #tpu.memory_space<vmem>>) target(%dma_start3A_44 : memref<80x128xf32, #tpu.memory_space<vmem_shared>>) target_semaphore(%arg13 : memref<!tpu.dma_semaphore, #tpu.memory_space<semaphore_mem>>)
    %dma_start3A_45 = arith.constant 0 : i32
    %dma_start3A_46 = tpu.memref_slice %arg10[%add3A_26, %dma_start3A_45] : memref<10000x128xf32, #tpu.memory_space<vmem_shared>> -> memref<80x128xf32, #tpu.memory_space<vmem_shared>>
    %dma_start3A_47 = arith.constant 0 : i32
    %dma_start3A_48 = tpu.memref_slice %arg10[%add3A_26, %dma_start3A_47] : memref<10000x128xf32, #tpu.memory_space<vmem_shared>> -> memref<80x128xf32, #tpu.memory_space<vmem_shared>>
    tpu.enqueue_dma source(%arg8 : memref<80x128xf32, #tpu.memory_space<vmem>>) target(%dma_start3A_48 : memref<80x128xf32, #tpu.memory_space<vmem_shared>>) target_semaphore(%arg13 : memref<!tpu.dma_semaphore, #tpu.memory_space<semaphore_mem>>)
    %dma_start3A_49 = arith.constant 0 : i32
    %dma_start3A_50 = tpu.memref_slice %arg10[%add3A_28, %dma_start3A_49] : memref<10000x128xf32, #tpu.memory_space<vmem_shared>> -> memref<80x128xf32, #tpu.memory_space<vmem_shared>>
    %dma_start3A_51 = arith.constant 0 : i32
    %dma_start3A_52 = tpu.memref_slice %arg10[%add3A_28, %dma_start3A_51] : memref<10000x128xf32, #tpu.memory_space<vmem_shared>> -> memref<80x128xf32, #tpu.memory_space<vmem_shared>>
    tpu.enqueue_dma source(%arg8 : memref<80x128xf32, #tpu.memory_space<vmem>>) target(%dma_start3A_52 : memref<80x128xf32, #tpu.memory_space<vmem_shared>>) target_semaphore(%arg13 : memref<!tpu.dma_semaphore, #tpu.memory_space<semaphore_mem>>)
    %dma_start3A_53 = arith.constant 0 : i32
    %dma_start3A_54 = tpu.memref_slice %arg10[%add3A_30, %dma_start3A_53] : memref<10000x128xf32, #tpu.memory_space<vmem_shared>> -> memref<80x128xf32, #tpu.memory_space<vmem_shared>>
    %dma_start3A_55 = arith.constant 0 : i32
    %dma_start3A_56 = tpu.memref_slice %arg10[%add3A_30, %dma_start3A_55] : memref<10000x128xf32, #tpu.memory_space<vmem_shared>> -> memref<80x128xf32, #tpu.memory_space<vmem_shared>>
    tpu.enqueue_dma source(%arg8 : memref<80x128xf32, #tpu.memory_space<vmem>>) target(%dma_start3A_56 : memref<80x128xf32, #tpu.memory_space<vmem_shared>>) target_semaphore(%arg13 : memref<!tpu.dma_semaphore, #tpu.memory_space<semaphore_mem>>)
    %dma_wait3A = arith.constant 0 : i32
    %dma_wait3A_57 = tpu.memref_slice %arg10[%add3A_22, %dma_wait3A] : memref<10000x128xf32, #tpu.memory_space<vmem_shared>> -> memref<80x128xf32, #tpu.memory_space<vmem_shared>>
    %dma_wait3A_58 = arith.constant 0 : i32
    %dma_wait3A_59 = tpu.memref_slice %arg10[%add3A_22, %dma_wait3A_58] : memref<10000x128xf32, #tpu.memory_space<vmem_shared>> -> memref<80x128xf32, #tpu.memory_space<vmem_shared>>
    tpu.wait_dma2 semaphore(%arg13 : memref<!tpu.dma_semaphore, #tpu.memory_space<semaphore_mem>>) src(%arg8 : memref<80x128xf32, #tpu.memory_space<vmem>>) dst(%dma_wait3A_59 : memref<80x128xf32, #tpu.memory_space<vmem_shared>>)
    %dma_wait3A_60 = arith.constant 0 : i32
    %dma_wait3A_61 = tpu.memref_slice %arg10[%add3A_24, %dma_wait3A_60] : memref<10000x128xf32, #tpu.memory_space<vmem_shared>> -> memref<80x128xf32, #tpu.memory_space<vmem_shared>>
    %dma_wait3A_62 = arith.constant 0 : i32
    %dma_wait3A_63 = tpu.memref_slice %arg10[%add3A_24, %dma_wait3A_62] : memref<10000x128xf32, #tpu.memory_space<vmem_shared>> -> memref<80x128xf32, #tpu.memory_space<vmem_shared>>
    tpu.wait_dma2 semaphore(%arg13 : memref<!tpu.dma_semaphore, #tpu.memory_space<semaphore_mem>>) src(%arg8 : memref<80x128xf32, #tpu.memory_space<vmem>>) dst(%dma_wait3A_63 : memref<80x128xf32, #tpu.memory_space<vmem_shared>>)
    %dma_wait3A_64 = arith.constant 0 : i32
    %dma_wait3A_65 = tpu.memref_slice %arg10[%add3A_26, %dma_wait3A_64] : memref<10000x128xf32, #tpu.memory_space<vmem_shared>> -> memref<80x128xf32, #tpu.memory_space<vmem_shared>>
    %dma_wait3A_66 = arith.constant 0 : i32
    %dma_wait3A_67 = tpu.memref_slice %arg10[%add3A_26, %dma_wait3A_66] : memref<10000x128xf32, #tpu.memory_space<vmem_shared>> -> memref<80x128xf32, #tpu.memory_space<vmem_shared>>
    tpu.wait_dma2 semaphore(%arg13 : memref<!tpu.dma_semaphore, #tpu.memory_space<semaphore_mem>>) src(%arg8 : memref<80x128xf32, #tpu.memory_space<vmem>>) dst(%dma_wait3A_67 : memref<80x128xf32, #tpu.memory_space<vmem_shared>>)
    %dma_wait3A_68 = arith.constant 0 : i32
    %dma_wait3A_69 = tpu.memref_slice %arg10[%add3A_28, %dma_wait3A_68] : memref<10000x128xf32, #tpu.memory_space<vmem_shared>> -> memref<80x128xf32, #tpu.memory_space<vmem_shared>>
    %dma_wait3A_70 = arith.constant 0 : i32
    %dma_wait3A_71 = tpu.memref_slice %arg10[%add3A_28, %dma_wait3A_70] : memref<10000x128xf32, #tpu.memory_space<vmem_shared>> -> memref<80x128xf32, #tpu.memory_space<vmem_shared>>
    tpu.wait_dma2 semaphore(%arg13 : memref<!tpu.dma_semaphore, #tpu.memory_space<semaphore_mem>>) src(%arg8 : memref<80x128xf32, #tpu.memory_space<vmem>>) dst(%dma_wait3A_71 : memref<80x128xf32, #tpu.memory_space<vmem_shared>>)
    %dma_wait3A_72 = arith.constant 0 : i32
    %dma_wait3A_73 = tpu.memref_slice %arg10[%add3A_30, %dma_wait3A_72] : memref<10000x128xf32, #tpu.memory_space<vmem_shared>> -> memref<80x128xf32, #tpu.memory_space<vmem_shared>>
    %dma_wait3A_74 = arith.constant 0 : i32
    %dma_wait3A_75 = tpu.memref_slice %arg10[%add3A_30, %dma_wait3A_74] : memref<10000x128xf32, #tpu.memory_space<vmem_shared>> -> memref<80x128xf32, #tpu.memory_space<vmem_shared>>
    tpu.wait_dma2 semaphore(%arg13 : memref<!tpu.dma_semaphore, #tpu.memory_space<semaphore_mem>>) src(%arg8 : memref<80x128xf32, #tpu.memory_space<vmem>>) dst(%dma_wait3A_75 : memref<80x128xf32, #tpu.memory_space<vmem_shared>>)
    %dma_start3A_76 = arith.constant 0 : i32
    %dma_start3A_77 = tpu.memref_slice %arg10[%add3A_32, %dma_start3A_76] : memref<10000x128xf32, #tpu.memory_space<vmem_shared>> -> memref<80x128xf32, #tpu.memory_space<vmem_shared>>
    %dma_start3A_78 = arith.constant 0 : i32
    %dma_start3A_79 = tpu.memref_slice %arg10[%add3A_32, %dma_start3A_78] : memref<10000x128xf32, #tpu.memory_space<vmem_shared>> -> memref<80x128xf32, #tpu.memory_space<vmem_shared>>
    tpu.enqueue_dma source(%arg8 : memref<80x128xf32, #tpu.memory_space<vmem>>) target(%dma_start3A_79 : memref<80x128xf32, #tpu.memory_space<vmem_shared>>) target_semaphore(%arg13 : memref<!tpu.dma_semaphore, #tpu.memory_space<semaphore_mem>>)
    %dma_start3A_80 = arith.constant 0 : i32
    %dma_start3A_81 = tpu.memref_slice %arg10[%add3A_34, %dma_start3A_80] : memref<10000x128xf32, #tpu.memory_space<vmem_shared>> -> memref<80x128xf32, #tpu.memory_space<vmem_shared>>
    %dma_start3A_82 = arith.constant 0 : i32
    %dma_start3A_83 = tpu.memref_slice %arg10[%add3A_34, %dma_start3A_82] : memref<10000x128xf32, #tpu.memory_space<vmem_shared>> -> memref<80x128xf32, #tpu.memory_space<vmem_shared>>
    tpu.enqueue_dma source(%arg8 : memref<80x128xf32, #tpu.memory_space<vmem>>) target(%dma_start3A_83 : memref<80x128xf32, #tpu.memory_space<vmem_shared>>) target_semaphore(%arg13 : memref<!tpu.dma_semaphore, #tpu.memory_space<semaphore_mem>>)
    %dma_start3A_84 = arith.constant 0 : i32
    %dma_start3A_85 = arith.constant 0 : i32
    %dma_start3A_86 = tpu.memref_slice %arg8[%dma_start3A_84, %dma_start3A_85] : memref<80x128xf32, #tpu.memory_space<vmem>> -> memref<64x128xf32, #tpu.memory_space<vmem>>
    %dma_start3A_87 = arith.constant 0 : i32
    %dma_start3A_88 = tpu.memref_slice %arg10[%add3A_36, %dma_start3A_87] : memref<10000x128xf32, #tpu.memory_space<vmem_shared>> -> memref<64x128xf32, #tpu.memory_space<vmem_shared>>
    %dma_start3A_89 = arith.constant 0 : i32
    %dma_start3A_90 = tpu.memref_slice %arg10[%add3A_36, %dma_start3A_89] : memref<10000x128xf32, #tpu.memory_space<vmem_shared>> -> memref<64x128xf32, #tpu.memory_space<vmem_shared>>
    %dma_start3A_91 = arith.constant 0 : i32
    %dma_start3A_92 = arith.constant 0 : i32
    %dma_start3A_93 = tpu.memref_slice %arg8[%dma_start3A_91, %dma_start3A_92] : memref<80x128xf32, #tpu.memory_space<vmem>> -> memref<64x128xf32, #tpu.memory_space<vmem>>
    tpu.enqueue_dma source(%dma_start3A_93 : memref<64x128xf32, #tpu.memory_space<vmem>>) target(%dma_start3A_90 : memref<64x128xf32, #tpu.memory_space<vmem_shared>>) target_semaphore(%arg13 : memref<!tpu.dma_semaphore, #tpu.memory_space<semaphore_mem>>)
    %dma_start3A_94 = arith.constant 0 : i32
    %dma_start3A_95 = arith.constant 0 : i32
    %dma_start3A_96 = tpu.memref_slice %arg8[%dma_start3A_94, %dma_start3A_95] : memref<80x128xf32, #tpu.memory_space<vmem>> -> memref<16x128xf32, #tpu.memory_space<vmem>>
    %dma_start3A_97 = arith.constant 9984 : i32
    %dma_start3A_98 = arith.constant 0 : i32
    %dma_start3A_99 = tpu.memref_slice %arg10[%dma_start3A_97, %dma_start3A_98] : memref<10000x128xf32, #tpu.memory_space<vmem_shared>> -> memref<16x128xf32, #tpu.memory_space<vmem_shared>>
    %dma_start3A_100 = arith.constant 9984 : i32
    %dma_start3A_101 = arith.constant 0 : i32
    %dma_start3A_102 = tpu.memref_slice %arg10[%dma_start3A_100, %dma_start3A_101] : memref<10000x128xf32, #tpu.memory_space<vmem_shared>> -> memref<16x128xf32, #tpu.memory_space<vmem_shared>>
    %dma_start3A_103 = arith.constant 0 : i32
    %dma_start3A_104 = arith.constant 0 : i32
    %dma_start3A_105 = tpu.memref_slice %arg8[%dma_start3A_103, %dma_start3A_104] : memref<80x128xf32, #tpu.memory_space<vmem>> -> memref<16x128xf32, #tpu.memory_space<vmem>>
    tpu.enqueue_dma source(%dma_start3A_105 : memref<16x128xf32, #tpu.memory_space<vmem>>) target(%dma_start3A_102 : memref<16x128xf32, #tpu.memory_space<vmem_shared>>) target_semaphore(%arg13 : memref<!tpu.dma_semaphore, #tpu.memory_space<semaphore_mem>>)
    %dma_wait3A_106 = arith.constant 0 : i32
    %dma_wait3A_107 = tpu.memref_slice %arg10[%add3A_32, %dma_wait3A_106] : memref<10000x128xf32, #tpu.memory_space<vmem_shared>> -> memref<80x128xf32, #tpu.memory_space<vmem_shared>>
    %dma_wait3A_108 = arith.constant 0 : i32
    %dma_wait3A_109 = tpu.memref_slice %arg10[%add3A_32, %dma_wait3A_108] : memref<10000x128xf32, #tpu.memory_space<vmem_shared>> -> memref<80x128xf32, #tpu.memory_space<vmem_shared>>
    tpu.wait_dma2 semaphore(%arg13 : memref<!tpu.dma_semaphore, #tpu.memory_space<semaphore_mem>>) src(%arg8 : memref<80x128xf32, #tpu.memory_space<vmem>>) dst(%dma_wait3A_109 : memref<80x128xf32, #tpu.memory_space<vmem_shared>>)
    %dma_wait3A_110 = arith.constant 0 : i32
    %dma_wait3A_111 = tpu.memref_slice %arg10[%add3A_34, %dma_wait3A_110] : memref<10000x128xf32, #tpu.memory_space<vmem_shared>> -> memref<80x128xf32, #tpu.memory_space<vmem_shared>>
    %dma_wait3A_112 = arith.constant 0 : i32
    %dma_wait3A_113 = tpu.memref_slice %arg10[%add3A_34, %dma_wait3A_112] : memref<10000x128xf32, #tpu.memory_space<vmem_shared>> -> memref<80x128xf32, #tpu.memory_space<vmem_shared>>
    tpu.wait_dma2 semaphore(%arg13 : memref<!tpu.dma_semaphore, #tpu.memory_space<semaphore_mem>>) src(%arg8 : memref<80x128xf32, #tpu.memory_space<vmem>>) dst(%dma_wait3A_113 : memref<80x128xf32, #tpu.memory_space<vmem_shared>>)
    %dma_wait3A_114 = arith.constant 0 : i32
    %dma_wait3A_115 = arith.constant 0 : i32
    %dma_wait3A_116 = tpu.memref_slice %arg8[%dma_wait3A_114, %dma_wait3A_115] : memref<80x128xf32, #tpu.memory_space<vmem>> -> memref<64x128xf32, #tpu.memory_space<vmem>>
    %dma_wait3A_117 = arith.constant 0 : i32
    %dma_wait3A_118 = tpu.memref_slice %arg10[%add3A_36, %dma_wait3A_117] : memref<10000x128xf32, #tpu.memory_space<vmem_shared>> -> memref<64x128xf32, #tpu.memory_space<vmem_shared>>
    %dma_wait3A_119 = arith.constant 0 : i32
    %dma_wait3A_120 = tpu.memref_slice %arg10[%add3A_36, %dma_wait3A_119] : memref<10000x128xf32, #tpu.memory_space<vmem_shared>> -> memref<64x128xf32, #tpu.memory_space<vmem_shared>>
    %dma_wait3A_121 = arith.constant 0 : i32
    %dma_wait3A_122 = arith.constant 0 : i32
    %dma_wait3A_123 = tpu.memref_slice %arg8[%dma_wait3A_121, %dma_wait3A_122] : memref<80x128xf32, #tpu.memory_space<vmem>> -> memref<64x128xf32, #tpu.memory_space<vmem>>
    tpu.wait_dma2 semaphore(%arg13 : memref<!tpu.dma_semaphore, #tpu.memory_space<semaphore_mem>>) src(%dma_wait3A_123 : memref<64x128xf32, #tpu.memory_space<vmem>>) dst(%dma_wait3A_120 : memref<64x128xf32, #tpu.memory_space<vmem_shared>>)
    %dma_wait3A_124 = arith.constant 0 : i32
    %dma_wait3A_125 = arith.constant 0 : i32
    %dma_wait3A_126 = tpu.memref_slice %arg8[%dma_wait3A_124, %dma_wait3A_125] : memref<80x128xf32, #tpu.memory_space<vmem>> -> memref<16x128xf32, #tpu.memory_space<vmem>>
    %dma_wait3A_127 = arith.constant 9984 : i32
    %dma_wait3A_128 = arith.constant 0 : i32
    %dma_wait3A_129 = tpu.memref_slice %arg10[%dma_wait3A_127, %dma_wait3A_128] : memref<10000x128xf32, #tpu.memory_space<vmem_shared>> -> memref<16x128xf32, #tpu.memory_space<vmem_shared>>
    %dma_wait3A_130 = arith.constant 9984 : i32
    %dma_wait3A_131 = arith.constant 0 : i32
    %dma_wait3A_132 = tpu.memref_slice %arg10[%dma_wait3A_130, %dma_wait3A_131] : memref<10000x128xf32, #tpu.memory_space<vmem_shared>> -> memref<16x128xf32, #tpu.memory_space<vmem_shared>>
    %dma_wait3A_133 = arith.constant 0 : i32
    %dma_wait3A_134 = arith.constant 0 : i32
    %dma_wait3A_135 = tpu.memref_slice %arg8[%dma_wait3A_133, %dma_wait3A_134] : memref<80x128xf32, #tpu.memory_space<vmem>> -> memref<16x128xf32, #tpu.memory_space<vmem>>
    tpu.wait_dma2 semaphore(%arg13 : memref<!tpu.dma_semaphore, #tpu.memory_space<semaphore_mem>>) src(%dma_wait3A_135 : memref<16x128xf32, #tpu.memory_space<vmem>>) dst(%dma_wait3A_132 : memref<16x128xf32, #tpu.memory_space<vmem_shared>>)
    %dma_wait3A_136 = tpu.memref_slice %arg2[%mul3A_5] : memref<320000xi32, #tpu.memory_space<hbm>> -> memref<10000xi32, #tpu.memory_space<hbm>>
    %dma_wait3A_137 = tpu.memref_slice %arg2[%mul3A_5] : memref<320000xi32, #tpu.memory_space<hbm>> -> memref<10000xi32, #tpu.memory_space<hbm>>
    tpu.wait_dma2 semaphore(%arg11 : memref<!tpu.dma_semaphore, #tpu.memory_space<semaphore_mem>>) src(%dma_wait3A_137 : memref<10000xi32, #tpu.memory_space<hbm>>) dst(%arg6 : memref<10000xi32, #tpu.memory_space<vmem>>)
    %dma_wait3A_138 = arith.constant 0 : i32
    %dma_wait3A_139 = arith.constant 0 : i32
    %dma_wait3A_140 = tpu.memref_slice %arg3[%add3A, %dma_wait3A_138, %dma_wait3A_139] : memref<32x125x80xi32, #tpu.memory_space<hbm>> -> memref<1x125x80xi32, #tpu.memory_space<hbm>>
    %dma_wait3A_141 = tpu.memref_squeeze %dma_wait3A_140 : memref<1x125x80xi32, #tpu.memory_space<hbm>> -> memref<125x80xi32, #tpu.memory_space<hbm>>
    %dma_wait3A_142 = arith.constant 0 : i32
    %dma_wait3A_143 = arith.constant 0 : i32
    %dma_wait3A_144 = tpu.memref_slice %arg3[%add3A, %dma_wait3A_142, %dma_wait3A_143] : memref<32x125x80xi32, #tpu.memory_space<hbm>> -> memref<1x125x80xi32, #tpu.memory_space<hbm>>
    %dma_wait3A_145 = tpu.memref_squeeze %dma_wait3A_144 : memref<1x125x80xi32, #tpu.memory_space<hbm>> -> memref<125x80xi32, #tpu.memory_space<hbm>>
    tpu.wait_dma2 semaphore(%arg12 : memref<!tpu.dma_semaphore, #tpu.memory_space<semaphore_mem>>) src(%dma_wait3A_145 : memref<125x80xi32, #tpu.memory_space<hbm>>) dst(%arg7 : memref<125x80xi32, #tpu.memory_space<vmem>>)
    %barrier3A = arith.constant 0 : index
    tpu.barrier barrier_id(%barrier3A)
    %dma_start3A_146 = arith.constant 0 : i32
    %dma_start3A_147 = tpu.memref_slice %arg6[%dma_start3A_146] : memref<10000xi32, #tpu.memory_space<vmem>> -> memref<80xi32, #tpu.memory_space<vmem>>
    %dma_start3A_148 = arith.constant 0 : i32
    %dma_start3A_149 = arith.constant 0 : i32
    %dma_start3A_150 = tpu.memref_slice %arg4[%dma_start3A_148, %dma_start3A_149] : memref<10000x128xf32, #tpu.memory_space<hbm>> -> memref<10000x128xf32, #tpu.memory_space<hbm>>
    tpu.enqueue_indirect_dma source(%dma_start3A_150 : memref<10000x128xf32, #tpu.memory_space<hbm>>) target(%arg8 : memref<80x128xf32, #tpu.memory_space<vmem>>) offsets(%dma_start3A_147 : memref<80xi32, #tpu.memory_space<vmem>>) semaphore(%arg11 : memref<!tpu.dma_semaphore, #tpu.memory_space<semaphore_mem>>)
    %dma_start3A_151 = arith.constant 80 : i32
    %dma_start3A_152 = tpu.memref_slice %arg6[%dma_start3A_151] : memref<10000xi32, #tpu.memory_space<vmem>> -> memref<80xi32, #tpu.memory_space<vmem>>
    %dma_start3A_153 = arith.constant 0 : i32
    %dma_start3A_154 = arith.constant 0 : i32
    %dma_start3A_155 = tpu.memref_slice %arg4[%dma_start3A_153, %dma_start3A_154] : memref<10000x128xf32, #tpu.memory_space<hbm>> -> memref<10000x128xf32, #tpu.memory_space<hbm>>
    tpu.enqueue_indirect_dma source(%dma_start3A_155 : memref<10000x128xf32, #tpu.memory_space<hbm>>) target(%arg9 : memref<80x128xf32, #tpu.memory_space<vmem>>) offsets(%dma_start3A_152 : memref<80xi32, #tpu.memory_space<vmem>>) semaphore(%arg12 : memref<!tpu.dma_semaphore, #tpu.memory_space<semaphore_mem>>)
    %scan3A_156 = arith.constant 0 : i32
    %scan3A_157 = arith.constant 61 : i32
    %scan3A_158 = arith.addi %scan3A_156, %scan3A_157 : i32
    %scan3A_159 = arith.constant 1 : i32
    scf.for %scan3A_442 = %scan3A_156 to %scan3A_158 step %scan3A_159  : i32 {
      %mul3A_443 = arith.constant 1 : i32
      %mul3A_444 = arith.muli %scan3A_442, %mul3A_443 : i32
      %add3A_445 = arith.constant 0 : i32
      %add3A_446 = arith.addi %add3A_445, %mul3A_444 : i32
      %mul3A_447 = arith.constant 2 : i32
      %mul3A_448 = arith.muli %mul3A_447, %add3A_446 : i32
      %mul3A_449 = arith.constant 80 : i32
      %mul3A_450 = arith.muli %mul3A_448, %mul3A_449 : i32
      %dma_wait3A_451 = tpu.memref_slice %arg6[%mul3A_450] : memref<10000xi32, #tpu.memory_space<vmem>> -> memref<80xi32, #tpu.memory_space<vmem>>
      %dma_wait3A_452 = arith.constant 0 : i32
      %dma_wait3A_453 = arith.constant 0 : i32
      %dma_wait3A_454 = tpu.memref_slice %arg4[%dma_wait3A_452, %dma_wait3A_453] : memref<10000x128xf32, #tpu.memory_space<hbm>> -> memref<10000x128xf32, #tpu.memory_space<hbm>>
      tpu.wait_indirect_dma semaphore(%arg11 : memref<!tpu.dma_semaphore, #tpu.memory_space<semaphore_mem>>) src(%dma_wait3A_454 : memref<10000x128xf32, #tpu.memory_space<hbm>>) dst(%arg8 : memref<80x128xf32, #tpu.memory_space<vmem>>)
      %dma_start3A_455 = arith.constant 0 : i32
      %dma_start3A_456 = tpu.memref_slice %arg7[%mul3A_448, %dma_start3A_455] : memref<125x80xi32, #tpu.memory_space<vmem>> -> memref<1x80xi32, #tpu.memory_space<vmem>>
      %dma_start3A_457 = tpu.memref_squeeze %dma_start3A_456 : memref<1x80xi32, #tpu.memory_space<vmem>> -> memref<80xi32, #tpu.memory_space<vmem>>
      %dma_start3A_458 = arith.constant 0 : i32
      %dma_start3A_459 = arith.constant 0 : i32
      %dma_start3A_460 = tpu.memref_slice %arg10[%dma_start3A_458, %dma_start3A_459] : memref<10000x128xf32, #tpu.memory_space<vmem_shared>> -> memref<10000x128xf32, #tpu.memory_space<vmem_shared>>
      tpu.enqueue_indirect_dma source(%arg8 : memref<80x128xf32, #tpu.memory_space<vmem>>) target(%dma_start3A_460 : memref<10000x128xf32, #tpu.memory_space<vmem_shared>>) offsets(%dma_start3A_457 : memref<80xi32, #tpu.memory_space<vmem>>) semaphore(%arg13 : memref<!tpu.dma_semaphore, #tpu.memory_space<semaphore_mem>>) {add = true}
      %add3A_461 = arith.constant 1 : i32
      %add3A_462 = arith.addi %mul3A_448, %add3A_461 : i32
      %mul3A_463 = arith.constant 80 : i32
      %mul3A_464 = arith.muli %add3A_462, %mul3A_463 : i32
      %dma_wait3A_465 = tpu.memref_slice %arg6[%mul3A_464] : memref<10000xi32, #tpu.memory_space<vmem>> -> memref<80xi32, #tpu.memory_space<vmem>>
      %dma_wait3A_466 = arith.constant 0 : i32
      %dma_wait3A_467 = arith.constant 0 : i32
      %dma_wait3A_468 = tpu.memref_slice %arg4[%dma_wait3A_466, %dma_wait3A_467] : memref<10000x128xf32, #tpu.memory_space<hbm>> -> memref<10000x128xf32, #tpu.memory_space<hbm>>
      tpu.wait_indirect_dma semaphore(%arg12 : memref<!tpu.dma_semaphore, #tpu.memory_space<semaphore_mem>>) src(%dma_wait3A_468 : memref<10000x128xf32, #tpu.memory_space<hbm>>) dst(%arg9 : memref<80x128xf32, #tpu.memory_space<vmem>>)
      %dma_wait3A_469 = arith.constant 0 : i32
      %dma_wait3A_470 = tpu.memref_slice %arg7[%mul3A_448, %dma_wait3A_469] : memref<125x80xi32, #tpu.memory_space<vmem>> -> memref<1x80xi32, #tpu.memory_space<vmem>>
      %dma_wait3A_471 = tpu.memref_squeeze %dma_wait3A_470 : memref<1x80xi32, #tpu.memory_space<vmem>> -> memref<80xi32, #tpu.memory_space<vmem>>
      %dma_wait3A_472 = arith.constant 0 : i32
      %dma_wait3A_473 = arith.constant 0 : i32
      %dma_wait3A_474 = tpu.memref_slice %arg10[%dma_wait3A_472, %dma_wait3A_473] : memref<10000x128xf32, #tpu.memory_space<vmem_shared>> -> memref<10000x128xf32, #tpu.memory_space<vmem_shared>>
      tpu.wait_indirect_dma semaphore(%arg13 : memref<!tpu.dma_semaphore, #tpu.memory_space<semaphore_mem>>) src(%arg8 : memref<80x128xf32, #tpu.memory_space<vmem>>) dst(%dma_wait3A_474 : memref<10000x128xf32, #tpu.memory_space<vmem_shared>>)
      %add3A_475 = arith.constant 1 : i32
      %add3A_476 = arith.addi %mul3A_448, %add3A_475 : i32
      %dma_start3A_477 = arith.constant 0 : i32
      %dma_start3A_478 = tpu.memref_slice %arg7[%add3A_476, %dma_start3A_477] : memref<125x80xi32, #tpu.memory_space<vmem>> -> memref<1x80xi32, #tpu.memory_space<vmem>>
      %dma_start3A_479 = tpu.memref_squeeze %dma_start3A_478 : memref<1x80xi32, #tpu.memory_space<vmem>> -> memref<80xi32, #tpu.memory_space<vmem>>
      %dma_start3A_480 = arith.constant 0 : i32
      %dma_start3A_481 = arith.constant 0 : i32
      %dma_start3A_482 = tpu.memref_slice %arg10[%dma_start3A_480, %dma_start3A_481] : memref<10000x128xf32, #tpu.memory_space<vmem_shared>> -> memref<10000x128xf32, #tpu.memory_space<vmem_shared>>
      tpu.enqueue_indirect_dma source(%arg9 : memref<80x128xf32, #tpu.memory_space<vmem>>) target(%dma_start3A_482 : memref<10000x128xf32, #tpu.memory_space<vmem_shared>>) offsets(%dma_start3A_479 : memref<80xi32, #tpu.memory_space<vmem>>) semaphore(%arg14 : memref<!tpu.dma_semaphore, #tpu.memory_space<semaphore_mem>>) {add = true}
      %add3A_483 = arith.constant 2 : i32
      %add3A_484 = arith.addi %mul3A_448, %add3A_483 : i32
      %mul3A_485 = arith.constant 80 : i32
      %mul3A_486 = arith.muli %add3A_484, %mul3A_485 : i32
      %dma_start3A_487 = tpu.memref_slice %arg6[%mul3A_486] : memref<10000xi32, #tpu.memory_space<vmem>> -> memref<80xi32, #tpu.memory_space<vmem>>
      %dma_start3A_488 = arith.constant 0 : i32
      %dma_start3A_489 = arith.constant 0 : i32
      %dma_start3A_490 = tpu.memref_slice %arg4[%dma_start3A_488, %dma_start3A_489] : memref<10000x128xf32, #tpu.memory_space<hbm>> -> memref<10000x128xf32, #tpu.memory_space<hbm>>
      tpu.enqueue_indirect_dma source(%dma_start3A_490 : memref<10000x128xf32, #tpu.memory_space<hbm>>) target(%arg8 : memref<80x128xf32, #tpu.memory_space<vmem>>) offsets(%dma_start3A_487 : memref<80xi32, #tpu.memory_space<vmem>>) semaphore(%arg11 : memref<!tpu.dma_semaphore, #tpu.memory_space<semaphore_mem>>)
      %add3A_491 = arith.constant 1 : i32
      %add3A_492 = arith.addi %mul3A_448, %add3A_491 : i32
      %dma_wait3A_493 = arith.constant 0 : i32
      %dma_wait3A_494 = tpu.memref_slice %arg7[%add3A_492, %dma_wait3A_493] : memref<125x80xi32, #tpu.memory_space<vmem>> -> memref<1x80xi32, #tpu.memory_space<vmem>>
      %dma_wait3A_495 = tpu.memref_squeeze %dma_wait3A_494 : memref<1x80xi32, #tpu.memory_space<vmem>> -> memref<80xi32, #tpu.memory_space<vmem>>
      %dma_wait3A_496 = arith.constant 0 : i32
      %dma_wait3A_497 = arith.constant 0 : i32
      %dma_wait3A_498 = tpu.memref_slice %arg10[%dma_wait3A_496, %dma_wait3A_497] : memref<10000x128xf32, #tpu.memory_space<vmem_shared>> -> memref<10000x128xf32, #tpu.memory_space<vmem_shared>>
      tpu.wait_indirect_dma semaphore(%arg14 : memref<!tpu.dma_semaphore, #tpu.memory_space<semaphore_mem>>) src(%arg9 : memref<80x128xf32, #tpu.memory_space<vmem>>) dst(%dma_wait3A_498 : memref<10000x128xf32, #tpu.memory_space<vmem_shared>>)
      %add3A_499 = arith.constant 3 : i32
      %add3A_500 = arith.addi %mul3A_448, %add3A_499 : i32
      %mul3A_501 = arith.constant 80 : i32
      %mul3A_502 = arith.muli %add3A_500, %mul3A_501 : i32
      %dma_start3A_503 = tpu.memref_slice %arg6[%mul3A_502] : memref<10000xi32, #tpu.memory_space<vmem>> -> memref<80xi32, #tpu.memory_space<vmem>>
      %dma_start3A_504 = arith.constant 0 : i32
      %dma_start3A_505 = arith.constant 0 : i32
      %dma_start3A_506 = tpu.memref_slice %arg4[%dma_start3A_504, %dma_start3A_505] : memref<10000x128xf32, #tpu.memory_space<hbm>> -> memref<10000x128xf32, #tpu.memory_space<hbm>>
      tpu.enqueue_indirect_dma source(%dma_start3A_506 : memref<10000x128xf32, #tpu.memory_space<hbm>>) target(%arg9 : memref<80x128xf32, #tpu.memory_space<vmem>>) offsets(%dma_start3A_503 : memref<80xi32, #tpu.memory_space<vmem>>) semaphore(%arg12 : memref<!tpu.dma_semaphore, #tpu.memory_space<semaphore_mem>>)
    }
    %scan3A_160 = arith.constant 61 : i32
    %dma_wait3A_161 = arith.constant 9760 : i32
    %dma_wait3A_162 = tpu.memref_slice %arg6[%dma_wait3A_161] : memref<10000xi32, #tpu.memory_space<vmem>> -> memref<80xi32, #tpu.memory_space<vmem>>
    %dma_wait3A_163 = arith.constant 0 : i32
    %dma_wait3A_164 = arith.constant 0 : i32
    %dma_wait3A_165 = tpu.memref_slice %arg4[%dma_wait3A_163, %dma_wait3A_164] : memref<10000x128xf32, #tpu.memory_space<hbm>> -> memref<10000x128xf32, #tpu.memory_space<hbm>>
    tpu.wait_indirect_dma semaphore(%arg11 : memref<!tpu.dma_semaphore, #tpu.memory_space<semaphore_mem>>) src(%dma_wait3A_165 : memref<10000x128xf32, #tpu.memory_space<hbm>>) dst(%arg8 : memref<80x128xf32, #tpu.memory_space<vmem>>)
    %dma_start3A_166 = arith.constant 122 : i32
    %dma_start3A_167 = arith.constant 0 : i32
    %dma_start3A_168 = tpu.memref_slice %arg7[%dma_start3A_166, %dma_start3A_167] : memref<125x80xi32, #tpu.memory_space<vmem>> -> memref<1x80xi32, #tpu.memory_space<vmem>>
    %dma_start3A_169 = tpu.memref_squeeze %dma_start3A_168 : memref<1x80xi32, #tpu.memory_space<vmem>> -> memref<80xi32, #tpu.memory_space<vmem>>
    %dma_start3A_170 = arith.constant 0 : i32
    %dma_start3A_171 = arith.constant 0 : i32
    %dma_start3A_172 = tpu.memref_slice %arg10[%dma_start3A_170, %dma_start3A_171] : memref<10000x128xf32, #tpu.memory_space<vmem_shared>> -> memref<10000x128xf32, #tpu.memory_space<vmem_shared>>
    tpu.enqueue_indirect_dma source(%arg8 : memref<80x128xf32, #tpu.memory_space<vmem>>) target(%dma_start3A_172 : memref<10000x128xf32, #tpu.memory_space<vmem_shared>>) offsets(%dma_start3A_169 : memref<80xi32, #tpu.memory_space<vmem>>) semaphore(%arg13 : memref<!tpu.dma_semaphore, #tpu.memory_space<semaphore_mem>>) {add = true}
    %dma_wait3A_173 = arith.constant 9840 : i32
    %dma_wait3A_174 = tpu.memref_slice %arg6[%dma_wait3A_173] : memref<10000xi32, #tpu.memory_space<vmem>> -> memref<80xi32, #tpu.memory_space<vmem>>
    %dma_wait3A_175 = arith.constant 0 : i32
    %dma_wait3A_176 = arith.constant 0 : i32
    %dma_wait3A_177 = tpu.memref_slice %arg4[%dma_wait3A_175, %dma_wait3A_176] : memref<10000x128xf32, #tpu.memory_space<hbm>> -> memref<10000x128xf32, #tpu.memory_space<hbm>>
    tpu.wait_indirect_dma semaphore(%arg12 : memref<!tpu.dma_semaphore, #tpu.memory_space<semaphore_mem>>) src(%dma_wait3A_177 : memref<10000x128xf32, #tpu.memory_space<hbm>>) dst(%arg9 : memref<80x128xf32, #tpu.memory_space<vmem>>)
    %dma_wait3A_178 = arith.constant 122 : i32
    %dma_wait3A_179 = arith.constant 0 : i32
    %dma_wait3A_180 = tpu.memref_slice %arg7[%dma_wait3A_178, %dma_wait3A_179] : memref<125x80xi32, #tpu.memory_space<vmem>> -> memref<1x80xi32, #tpu.memory_space<vmem>>
    %dma_wait3A_181 = tpu.memref_squeeze %dma_wait3A_180 : memref<1x80xi32, #tpu.memory_space<vmem>> -> memref<80xi32, #tpu.memory_space<vmem>>
    %dma_wait3A_182 = arith.constant 0 : i32
    %dma_wait3A_183 = arith.constant 0 : i32
    %dma_wait3A_184 = tpu.memref_slice %arg10[%dma_wait3A_182, %dma_wait3A_183] : memref<10000x128xf32, #tpu.memory_space<vmem_shared>> -> memref<10000x128xf32, #tpu.memory_space<vmem_shared>>
    tpu.wait_indirect_dma semaphore(%arg13 : memref<!tpu.dma_semaphore, #tpu.memory_space<semaphore_mem>>) src(%arg8 : memref<80x128xf32, #tpu.memory_space<vmem>>) dst(%dma_wait3A_184 : memref<10000x128xf32, #tpu.memory_space<vmem_shared>>)
    %dma_start3A_185 = arith.constant 123 : i32
    %dma_start3A_186 = arith.constant 0 : i32
    %dma_start3A_187 = tpu.memref_slice %arg7[%dma_start3A_185, %dma_start3A_186] : memref<125x80xi32, #tpu.memory_space<vmem>> -> memref<1x80xi32, #tpu.memory_space<vmem>>
    %dma_start3A_188 = tpu.memref_squeeze %dma_start3A_187 : memref<1x80xi32, #tpu.memory_space<vmem>> -> memref<80xi32, #tpu.memory_space<vmem>>
    %dma_start3A_189 = arith.constant 0 : i32
    %dma_start3A_190 = arith.constant 0 : i32
    %dma_start3A_191 = tpu.memref_slice %arg10[%dma_start3A_189, %dma_start3A_190] : memref<10000x128xf32, #tpu.memory_space<vmem_shared>> -> memref<10000x128xf32, #tpu.memory_space<vmem_shared>>
    tpu.enqueue_indirect_dma source(%arg9 : memref<80x128xf32, #tpu.memory_space<vmem>>) target(%dma_start3A_191 : memref<10000x128xf32, #tpu.memory_space<vmem_shared>>) offsets(%dma_start3A_188 : memref<80xi32, #tpu.memory_space<vmem>>) semaphore(%arg14 : memref<!tpu.dma_semaphore, #tpu.memory_space<semaphore_mem>>) {add = true}
    %dma_start3A_192 = arith.constant 9920 : i32
    %dma_start3A_193 = tpu.memref_slice %arg6[%dma_start3A_192] : memref<10000xi32, #tpu.memory_space<vmem>> -> memref<80xi32, #tpu.memory_space<vmem>>
    %dma_start3A_194 = arith.constant 0 : i32
    %dma_start3A_195 = arith.constant 0 : i32
    %dma_start3A_196 = tpu.memref_slice %arg4[%dma_start3A_194, %dma_start3A_195] : memref<10000x128xf32, #tpu.memory_space<hbm>> -> memref<10000x128xf32, #tpu.memory_space<hbm>>
    tpu.enqueue_indirect_dma source(%dma_start3A_196 : memref<10000x128xf32, #tpu.memory_space<hbm>>) target(%arg8 : memref<80x128xf32, #tpu.memory_space<vmem>>) offsets(%dma_start3A_193 : memref<80xi32, #tpu.memory_space<vmem>>) semaphore(%arg11 : memref<!tpu.dma_semaphore, #tpu.memory_space<semaphore_mem>>)
    %dma_wait3A_197 = arith.constant 123 : i32
    %dma_wait3A_198 = arith.constant 0 : i32
    %dma_wait3A_199 = tpu.memref_slice %arg7[%dma_wait3A_197, %dma_wait3A_198] : memref<125x80xi32, #tpu.memory_space<vmem>> -> memref<1x80xi32, #tpu.memory_space<vmem>>
    %dma_wait3A_200 = tpu.memref_squeeze %dma_wait3A_199 : memref<1x80xi32, #tpu.memory_space<vmem>> -> memref<80xi32, #tpu.memory_space<vmem>>
    %dma_wait3A_201 = arith.constant 0 : i32
    %dma_wait3A_202 = arith.constant 0 : i32
    %dma_wait3A_203 = tpu.memref_slice %arg10[%dma_wait3A_201, %dma_wait3A_202] : memref<10000x128xf32, #tpu.memory_space<vmem_shared>> -> memref<10000x128xf32, #tpu.memory_space<vmem_shared>>
    tpu.wait_indirect_dma semaphore(%arg14 : memref<!tpu.dma_semaphore, #tpu.memory_space<semaphore_mem>>) src(%arg9 : memref<80x128xf32, #tpu.memory_space<vmem>>) dst(%dma_wait3A_203 : memref<10000x128xf32, #tpu.memory_space<vmem_shared>>)
    %dma_wait3A_204 = arith.constant 9920 : i32
    %dma_wait3A_205 = tpu.memref_slice %arg6[%dma_wait3A_204] : memref<10000xi32, #tpu.memory_space<vmem>> -> memref<80xi32, #tpu.memory_space<vmem>>
    %dma_wait3A_206 = arith.constant 0 : i32
    %dma_wait3A_207 = arith.constant 0 : i32
    %dma_wait3A_208 = tpu.memref_slice %arg4[%dma_wait3A_206, %dma_wait3A_207] : memref<10000x128xf32, #tpu.memory_space<hbm>> -> memref<10000x128xf32, #tpu.memory_space<hbm>>
    tpu.wait_indirect_dma semaphore(%arg11 : memref<!tpu.dma_semaphore, #tpu.memory_space<semaphore_mem>>) src(%dma_wait3A_208 : memref<10000x128xf32, #tpu.memory_space<hbm>>) dst(%arg8 : memref<80x128xf32, #tpu.memory_space<vmem>>)
    %dma_start3A_209 = arith.constant 124 : i32
    %dma_start3A_210 = arith.constant 0 : i32
    %dma_start3A_211 = tpu.memref_slice %arg7[%dma_start3A_209, %dma_start3A_210] : memref<125x80xi32, #tpu.memory_space<vmem>> -> memref<1x80xi32, #tpu.memory_space<vmem>>
    %dma_start3A_212 = tpu.memref_squeeze %dma_start3A_211 : memref<1x80xi32, #tpu.memory_space<vmem>> -> memref<80xi32, #tpu.memory_space<vmem>>
    %dma_start3A_213 = arith.constant 0 : i32
    %dma_start3A_214 = arith.constant 0 : i32
    %dma_start3A_215 = tpu.memref_slice %arg10[%dma_start3A_213, %dma_start3A_214] : memref<10000x128xf32, #tpu.memory_space<vmem_shared>> -> memref<10000x128xf32, #tpu.memory_space<vmem_shared>>
    tpu.enqueue_indirect_dma source(%arg8 : memref<80x128xf32, #tpu.memory_space<vmem>>) target(%dma_start3A_215 : memref<10000x128xf32, #tpu.memory_space<vmem_shared>>) offsets(%dma_start3A_212 : memref<80xi32, #tpu.memory_space<vmem>>) semaphore(%arg13 : memref<!tpu.dma_semaphore, #tpu.memory_space<semaphore_mem>>) {add = true}
    %dma_wait3A_216 = arith.constant 124 : i32
    %dma_wait3A_217 = arith.constant 0 : i32
    %dma_wait3A_218 = tpu.memref_slice %arg7[%dma_wait3A_216, %dma_wait3A_217] : memref<125x80xi32, #tpu.memory_space<vmem>> -> memref<1x80xi32, #tpu.memory_space<vmem>>
    %dma_wait3A_219 = tpu.memref_squeeze %dma_wait3A_218 : memref<1x80xi32, #tpu.memory_space<vmem>> -> memref<80xi32, #tpu.memory_space<vmem>>
    %dma_wait3A_220 = arith.constant 0 : i32
    %dma_wait3A_221 = arith.constant 0 : i32
    %dma_wait3A_222 = tpu.memref_slice %arg10[%dma_wait3A_220, %dma_wait3A_221] : memref<10000x128xf32, #tpu.memory_space<vmem_shared>> -> memref<10000x128xf32, #tpu.memory_space<vmem_shared>>
    tpu.wait_indirect_dma semaphore(%arg13 : memref<!tpu.dma_semaphore, #tpu.memory_space<semaphore_mem>>) src(%arg8 : memref<80x128xf32, #tpu.memory_space<vmem>>) dst(%dma_wait3A_222 : memref<10000x128xf32, #tpu.memory_space<vmem_shared>>)
    %barrier3A_223 = arith.constant 0 : index
    tpu.barrier barrier_id(%barrier3A_223)
    %mul3A_224 = arith.constant 10000 : i32
    %mul3A_225 = arith.muli %arg0, %mul3A_224 : i32
    %add3A_226 = arith.constant 0 : i32
    %add3A_227 = arith.addi %mul3A_20, %add3A_226 : i32
    %add3A_228 = arith.constant 80 : i32
    %add3A_229 = arith.addi %mul3A_20, %add3A_228 : i32
    %add3A_230 = arith.constant 160 : i32
    %add3A_231 = arith.addi %mul3A_20, %add3A_230 : i32
    %add3A_232 = arith.constant 240 : i32
    %add3A_233 = arith.addi %mul3A_20, %add3A_232 : i32
    %add3A_234 = arith.constant 320 : i32
    %add3A_235 = arith.addi %mul3A_20, %add3A_234 : i32
    %add3A_236 = arith.constant 400 : i32
    %add3A_237 = arith.addi %mul3A_20, %add3A_236 : i32
    %add3A_238 = arith.constant 480 : i32
    %add3A_239 = arith.addi %mul3A_20, %add3A_238 : i32
    %add3A_240 = arith.constant 560 : i32
    %add3A_241 = arith.addi %mul3A_20, %add3A_240 : i32
    "tpu.region"() ({
      %run_scoped3A = tpu.sem_alloc : memref<!tpu.dma_semaphore, #tpu.memory_space<semaphore_mem>>
      %dma_start3A_442 = arith.constant 0 : i32
      %dma_start3A_443 = arith.constant 0 : i32
      %dma_start3A_444 = tpu.memref_slice %arg8[%dma_start3A_442, %dma_start3A_443] : memref<80x128xf32, #tpu.memory_space<vmem>> -> memref<80x128xf32, #tpu.memory_space<vmem>>
      %dma_start3A_445 = arith.constant 0 : i32
      %dma_start3A_446 = tpu.memref_slice %arg10[%add3A_227, %dma_start3A_445] : memref<10000x128xf32, #tpu.memory_space<vmem_shared>> -> memref<80x128xf32, #tpu.memory_space<vmem_shared>>
      %dma_start3A_447 = arith.constant 0 : i32
      %dma_start3A_448 = arith.constant 0 : i32
      %dma_start3A_449 = tpu.memref_slice %arg8[%dma_start3A_447, %dma_start3A_448] : memref<80x128xf32, #tpu.memory_space<vmem>> -> memref<80x128xf32, #tpu.memory_space<vmem>>
      %dma_start3A_450 = arith.constant 0 : i32
      %dma_start3A_451 = tpu.memref_slice %arg10[%add3A_227, %dma_start3A_450] : memref<10000x128xf32, #tpu.memory_space<vmem_shared>> -> memref<80x128xf32, #tpu.memory_space<vmem_shared>>
      tpu.enqueue_dma source(%dma_start3A_451 : memref<80x128xf32, #tpu.memory_space<vmem_shared>>) target(%dma_start3A_449 : memref<80x128xf32, #tpu.memory_space<vmem>>) target_semaphore(%run_scoped3A : memref<!tpu.dma_semaphore, #tpu.memory_space<semaphore_mem>>)
      %dma_wait3A_452 = arith.constant 0 : i32
      %dma_wait3A_453 = arith.constant 0 : i32
      %dma_wait3A_454 = tpu.memref_slice %arg8[%dma_wait3A_452, %dma_wait3A_453] : memref<80x128xf32, #tpu.memory_space<vmem>> -> memref<80x128xf32, #tpu.memory_space<vmem>>
      %dma_wait3A_455 = arith.constant 0 : i32
      %dma_wait3A_456 = tpu.memref_slice %arg10[%add3A_227, %dma_wait3A_455] : memref<10000x128xf32, #tpu.memory_space<vmem_shared>> -> memref<80x128xf32, #tpu.memory_space<vmem_shared>>
      %dma_wait3A_457 = arith.constant 0 : i32
      %dma_wait3A_458 = arith.constant 0 : i32
      %dma_wait3A_459 = tpu.memref_slice %arg8[%dma_wait3A_457, %dma_wait3A_458] : memref<80x128xf32, #tpu.memory_space<vmem>> -> memref<80x128xf32, #tpu.memory_space<vmem>>
      %dma_wait3A_460 = arith.constant 0 : i32
      %dma_wait3A_461 = tpu.memref_slice %arg10[%add3A_227, %dma_wait3A_460] : memref<10000x128xf32, #tpu.memory_space<vmem_shared>> -> memref<80x128xf32, #tpu.memory_space<vmem_shared>>
      tpu.wait_dma2 semaphore(%run_scoped3A : memref<!tpu.dma_semaphore, #tpu.memory_space<semaphore_mem>>) src(%dma_wait3A_461 : memref<80x128xf32, #tpu.memory_space<vmem_shared>>) dst(%dma_wait3A_459 : memref<80x128xf32, #tpu.memory_space<vmem>>)
      tpu.yield
    }) : () -> ()
    %add3A_242 = arith.addi %mul3A_225, %add3A_227 : i32
    %dma_start3A_243 = arith.constant 0 : i32
    %dma_start3A_244 = arith.constant 0 : i32
    %dma_start3A_245 = tpu.memref_slice %arg8[%dma_start3A_243, %dma_start3A_244] : memref<80x128xf32, #tpu.memory_space<vmem>> -> memref<80x128xf32, #tpu.memory_space<vmem>>
    %dma_start3A_246 = arith.constant 0 : i32
    %dma_start3A_247 = tpu.memref_slice %arg5[%add3A_242, %dma_start3A_246] : memref<20000x128xf32, #tpu.memory_space<hbm>> -> memref<80x128xf32, #tpu.memory_space<hbm>>
    %dma_start3A_248 = arith.constant 0 : i32
    %dma_start3A_249 = tpu.memref_slice %arg5[%add3A_242, %dma_start3A_248] : memref<20000x128xf32, #tpu.memory_space<hbm>> -> memref<80x128xf32, #tpu.memory_space<hbm>>
    %dma_start3A_250 = arith.constant 0 : i32
    %dma_start3A_251 = arith.constant 0 : i32
    %dma_start3A_252 = tpu.memref_slice %arg8[%dma_start3A_250, %dma_start3A_251] : memref<80x128xf32, #tpu.memory_space<vmem>> -> memref<80x128xf32, #tpu.memory_space<vmem>>
    tpu.enqueue_dma source(%dma_start3A_252 : memref<80x128xf32, #tpu.memory_space<vmem>>) target(%dma_start3A_249 : memref<80x128xf32, #tpu.memory_space<hbm>>) target_semaphore(%arg13 : memref<!tpu.dma_semaphore, #tpu.memory_space<semaphore_mem>>)
    %add3A_253 = arith.addi %mul3A_225, %add3A_227 : i32
    "tpu.region"() ({
      %run_scoped3A = tpu.sem_alloc : memref<!tpu.dma_semaphore, #tpu.memory_space<semaphore_mem>>
      %dma_start3A_442 = arith.constant 0 : i32
      %dma_start3A_443 = arith.constant 0 : i32
      %dma_start3A_444 = tpu.memref_slice %arg9[%dma_start3A_442, %dma_start3A_443] : memref<80x128xf32, #tpu.memory_space<vmem>> -> memref<80x128xf32, #tpu.memory_space<vmem>>
      %dma_start3A_445 = arith.constant 0 : i32
      %dma_start3A_446 = tpu.memref_slice %arg10[%add3A_229, %dma_start3A_445] : memref<10000x128xf32, #tpu.memory_space<vmem_shared>> -> memref<80x128xf32, #tpu.memory_space<vmem_shared>>
      %dma_start3A_447 = arith.constant 0 : i32
      %dma_start3A_448 = arith.constant 0 : i32
      %dma_start3A_449 = tpu.memref_slice %arg9[%dma_start3A_447, %dma_start3A_448] : memref<80x128xf32, #tpu.memory_space<vmem>> -> memref<80x128xf32, #tpu.memory_space<vmem>>
      %dma_start3A_450 = arith.constant 0 : i32
      %dma_start3A_451 = tpu.memref_slice %arg10[%add3A_229, %dma_start3A_450] : memref<10000x128xf32, #tpu.memory_space<vmem_shared>> -> memref<80x128xf32, #tpu.memory_space<vmem_shared>>
      tpu.enqueue_dma source(%dma_start3A_451 : memref<80x128xf32, #tpu.memory_space<vmem_shared>>) target(%dma_start3A_449 : memref<80x128xf32, #tpu.memory_space<vmem>>) target_semaphore(%run_scoped3A : memref<!tpu.dma_semaphore, #tpu.memory_space<semaphore_mem>>)
      %dma_wait3A_452 = arith.constant 0 : i32
      %dma_wait3A_453 = arith.constant 0 : i32
      %dma_wait3A_454 = tpu.memref_slice %arg9[%dma_wait3A_452, %dma_wait3A_453] : memref<80x128xf32, #tpu.memory_space<vmem>> -> memref<80x128xf32, #tpu.memory_space<vmem>>
      %dma_wait3A_455 = arith.constant 0 : i32
      %dma_wait3A_456 = tpu.memref_slice %arg10[%add3A_229, %dma_wait3A_455] : memref<10000x128xf32, #tpu.memory_space<vmem_shared>> -> memref<80x128xf32, #tpu.memory_space<vmem_shared>>
      %dma_wait3A_457 = arith.constant 0 : i32
      %dma_wait3A_458 = arith.constant 0 : i32
      %dma_wait3A_459 = tpu.memref_slice %arg9[%dma_wait3A_457, %dma_wait3A_458] : memref<80x128xf32, #tpu.memory_space<vmem>> -> memref<80x128xf32, #tpu.memory_space<vmem>>
      %dma_wait3A_460 = arith.constant 0 : i32
      %dma_wait3A_461 = tpu.memref_slice %arg10[%add3A_229, %dma_wait3A_460] : memref<10000x128xf32, #tpu.memory_space<vmem_shared>> -> memref<80x128xf32, #tpu.memory_space<vmem_shared>>
      tpu.wait_dma2 semaphore(%run_scoped3A : memref<!tpu.dma_semaphore, #tpu.memory_space<semaphore_mem>>) src(%dma_wait3A_461 : memref<80x128xf32, #tpu.memory_space<vmem_shared>>) dst(%dma_wait3A_459 : memref<80x128xf32, #tpu.memory_space<vmem>>)
      tpu.yield
    }) : () -> ()
    %add3A_254 = arith.addi %mul3A_225, %add3A_229 : i32
    %dma_start3A_255 = arith.constant 0 : i32
    %dma_start3A_256 = arith.constant 0 : i32
    %dma_start3A_257 = tpu.memref_slice %arg9[%dma_start3A_255, %dma_start3A_256] : memref<80x128xf32, #tpu.memory_space<vmem>> -> memref<80x128xf32, #tpu.memory_space<vmem>>
    %dma_start3A_258 = arith.constant 0 : i32
    %dma_start3A_259 = tpu.memref_slice %arg5[%add3A_254, %dma_start3A_258] : memref<20000x128xf32, #tpu.memory_space<hbm>> -> memref<80x128xf32, #tpu.memory_space<hbm>>
    %dma_start3A_260 = arith.constant 0 : i32
    %dma_start3A_261 = tpu.memref_slice %arg5[%add3A_254, %dma_start3A_260] : memref<20000x128xf32, #tpu.memory_space<hbm>> -> memref<80x128xf32, #tpu.memory_space<hbm>>
    %dma_start3A_262 = arith.constant 0 : i32
    %dma_start3A_263 = arith.constant 0 : i32
    %dma_start3A_264 = tpu.memref_slice %arg9[%dma_start3A_262, %dma_start3A_263] : memref<80x128xf32, #tpu.memory_space<vmem>> -> memref<80x128xf32, #tpu.memory_space<vmem>>
    tpu.enqueue_dma source(%dma_start3A_264 : memref<80x128xf32, #tpu.memory_space<vmem>>) target(%dma_start3A_261 : memref<80x128xf32, #tpu.memory_space<hbm>>) target_semaphore(%arg14 : memref<!tpu.dma_semaphore, #tpu.memory_space<semaphore_mem>>)
    %add3A_265 = arith.addi %mul3A_225, %add3A_229 : i32
    %dma_wait3A_266 = arith.constant 0 : i32
    %dma_wait3A_267 = arith.constant 0 : i32
    %dma_wait3A_268 = tpu.memref_slice %arg8[%dma_wait3A_266, %dma_wait3A_267] : memref<80x128xf32, #tpu.memory_space<vmem>> -> memref<80x128xf32, #tpu.memory_space<vmem>>
    %dma_wait3A_269 = arith.constant 0 : i32
    %dma_wait3A_270 = tpu.memref_slice %arg5[%add3A_253, %dma_wait3A_269] : memref<20000x128xf32, #tpu.memory_space<hbm>> -> memref<80x128xf32, #tpu.memory_space<hbm>>
    %dma_wait3A_271 = arith.constant 0 : i32
    %dma_wait3A_272 = tpu.memref_slice %arg5[%add3A_253, %dma_wait3A_271] : memref<20000x128xf32, #tpu.memory_space<hbm>> -> memref<80x128xf32, #tpu.memory_space<hbm>>
    %dma_wait3A_273 = arith.constant 0 : i32
    %dma_wait3A_274 = arith.constant 0 : i32
    %dma_wait3A_275 = tpu.memref_slice %arg8[%dma_wait3A_273, %dma_wait3A_274] : memref<80x128xf32, #tpu.memory_space<vmem>> -> memref<80x128xf32, #tpu.memory_space<vmem>>
    tpu.wait_dma2 semaphore(%arg13 : memref<!tpu.dma_semaphore, #tpu.memory_space<semaphore_mem>>) src(%dma_wait3A_275 : memref<80x128xf32, #tpu.memory_space<vmem>>) dst(%dma_wait3A_272 : memref<80x128xf32, #tpu.memory_space<hbm>>)
    "tpu.region"() ({
      %run_scoped3A = tpu.sem_alloc : memref<!tpu.dma_semaphore, #tpu.memory_space<semaphore_mem>>
      %dma_start3A_442 = arith.constant 0 : i32
      %dma_start3A_443 = arith.constant 0 : i32
      %dma_start3A_444 = tpu.memref_slice %arg8[%dma_start3A_442, %dma_start3A_443] : memref<80x128xf32, #tpu.memory_space<vmem>> -> memref<80x128xf32, #tpu.memory_space<vmem>>
      %dma_start3A_445 = arith.constant 0 : i32
      %dma_start3A_446 = tpu.memref_slice %arg10[%add3A_231, %dma_start3A_445] : memref<10000x128xf32, #tpu.memory_space<vmem_shared>> -> memref<80x128xf32, #tpu.memory_space<vmem_shared>>
      %dma_start3A_447 = arith.constant 0 : i32
      %dma_start3A_448 = arith.constant 0 : i32
      %dma_start3A_449 = tpu.memref_slice %arg8[%dma_start3A_447, %dma_start3A_448] : memref<80x128xf32, #tpu.memory_space<vmem>> -> memref<80x128xf32, #tpu.memory_space<vmem>>
      %dma_start3A_450 = arith.constant 0 : i32
      %dma_start3A_451 = tpu.memref_slice %arg10[%add3A_231, %dma_start3A_450] : memref<10000x128xf32, #tpu.memory_space<vmem_shared>> -> memref<80x128xf32, #tpu.memory_space<vmem_shared>>
      tpu.enqueue_dma source(%dma_start3A_451 : memref<80x128xf32, #tpu.memory_space<vmem_shared>>) target(%dma_start3A_449 : memref<80x128xf32, #tpu.memory_space<vmem>>) target_semaphore(%run_scoped3A : memref<!tpu.dma_semaphore, #tpu.memory_space<semaphore_mem>>)
      %dma_wait3A_452 = arith.constant 0 : i32
      %dma_wait3A_453 = arith.constant 0 : i32
      %dma_wait3A_454 = tpu.memref_slice %arg8[%dma_wait3A_452, %dma_wait3A_453] : memref<80x128xf32, #tpu.memory_space<vmem>> -> memref<80x128xf32, #tpu.memory_space<vmem>>
      %dma_wait3A_455 = arith.constant 0 : i32
      %dma_wait3A_456 = tpu.memref_slice %arg10[%add3A_231, %dma_wait3A_455] : memref<10000x128xf32, #tpu.memory_space<vmem_shared>> -> memref<80x128xf32, #tpu.memory_space<vmem_shared>>
      %dma_wait3A_457 = arith.constant 0 : i32
      %dma_wait3A_458 = arith.constant 0 : i32
      %dma_wait3A_459 = tpu.memref_slice %arg8[%dma_wait3A_457, %dma_wait3A_458] : memref<80x128xf32, #tpu.memory_space<vmem>> -> memref<80x128xf32, #tpu.memory_space<vmem>>
      %dma_wait3A_460 = arith.constant 0 : i32
      %dma_wait3A_461 = tpu.memref_slice %arg10[%add3A_231, %dma_wait3A_460] : memref<10000x128xf32, #tpu.memory_space<vmem_shared>> -> memref<80x128xf32, #tpu.memory_space<vmem_shared>>
      tpu.wait_dma2 semaphore(%run_scoped3A : memref<!tpu.dma_semaphore, #tpu.memory_space<semaphore_mem>>) src(%dma_wait3A_461 : memref<80x128xf32, #tpu.memory_space<vmem_shared>>) dst(%dma_wait3A_459 : memref<80x128xf32, #tpu.memory_space<vmem>>)
      tpu.yield
    }) : () -> ()
    %add3A_276 = arith.addi %mul3A_225, %add3A_231 : i32
    %dma_start3A_277 = arith.constant 0 : i32
    %dma_start3A_278 = arith.constant 0 : i32
    %dma_start3A_279 = tpu.memref_slice %arg8[%dma_start3A_277, %dma_start3A_278] : memref<80x128xf32, #tpu.memory_space<vmem>> -> memref<80x128xf32, #tpu.memory_space<vmem>>
    %dma_start3A_280 = arith.constant 0 : i32
    %dma_start3A_281 = tpu.memref_slice %arg5[%add3A_276, %dma_start3A_280] : memref<20000x128xf32, #tpu.memory_space<hbm>> -> memref<80x128xf32, #tpu.memory_space<hbm>>
    %dma_start3A_282 = arith.constant 0 : i32
    %dma_start3A_283 = tpu.memref_slice %arg5[%add3A_276, %dma_start3A_282] : memref<20000x128xf32, #tpu.memory_space<hbm>> -> memref<80x128xf32, #tpu.memory_space<hbm>>
    %dma_start3A_284 = arith.constant 0 : i32
    %dma_start3A_285 = arith.constant 0 : i32
    %dma_start3A_286 = tpu.memref_slice %arg8[%dma_start3A_284, %dma_start3A_285] : memref<80x128xf32, #tpu.memory_space<vmem>> -> memref<80x128xf32, #tpu.memory_space<vmem>>
    tpu.enqueue_dma source(%dma_start3A_286 : memref<80x128xf32, #tpu.memory_space<vmem>>) target(%dma_start3A_283 : memref<80x128xf32, #tpu.memory_space<hbm>>) target_semaphore(%arg13 : memref<!tpu.dma_semaphore, #tpu.memory_space<semaphore_mem>>)
    %add3A_287 = arith.addi %mul3A_225, %add3A_231 : i32
    %dma_wait3A_288 = arith.constant 0 : i32
    %dma_wait3A_289 = arith.constant 0 : i32
    %dma_wait3A_290 = tpu.memref_slice %arg9[%dma_wait3A_288, %dma_wait3A_289] : memref<80x128xf32, #tpu.memory_space<vmem>> -> memref<80x128xf32, #tpu.memory_space<vmem>>
    %dma_wait3A_291 = arith.constant 0 : i32
    %dma_wait3A_292 = tpu.memref_slice %arg5[%add3A_265, %dma_wait3A_291] : memref<20000x128xf32, #tpu.memory_space<hbm>> -> memref<80x128xf32, #tpu.memory_space<hbm>>
    %dma_wait3A_293 = arith.constant 0 : i32
    %dma_wait3A_294 = tpu.memref_slice %arg5[%add3A_265, %dma_wait3A_293] : memref<20000x128xf32, #tpu.memory_space<hbm>> -> memref<80x128xf32, #tpu.memory_space<hbm>>
    %dma_wait3A_295 = arith.constant 0 : i32
    %dma_wait3A_296 = arith.constant 0 : i32
    %dma_wait3A_297 = tpu.memref_slice %arg9[%dma_wait3A_295, %dma_wait3A_296] : memref<80x128xf32, #tpu.memory_space<vmem>> -> memref<80x128xf32, #tpu.memory_space<vmem>>
    tpu.wait_dma2 semaphore(%arg14 : memref<!tpu.dma_semaphore, #tpu.memory_space<semaphore_mem>>) src(%dma_wait3A_297 : memref<80x128xf32, #tpu.memory_space<vmem>>) dst(%dma_wait3A_294 : memref<80x128xf32, #tpu.memory_space<hbm>>)
    "tpu.region"() ({
      %run_scoped3A = tpu.sem_alloc : memref<!tpu.dma_semaphore, #tpu.memory_space<semaphore_mem>>
      %dma_start3A_442 = arith.constant 0 : i32
      %dma_start3A_443 = arith.constant 0 : i32
      %dma_start3A_444 = tpu.memref_slice %arg9[%dma_start3A_442, %dma_start3A_443] : memref<80x128xf32, #tpu.memory_space<vmem>> -> memref<80x128xf32, #tpu.memory_space<vmem>>
      %dma_start3A_445 = arith.constant 0 : i32
      %dma_start3A_446 = tpu.memref_slice %arg10[%add3A_233, %dma_start3A_445] : memref<10000x128xf32, #tpu.memory_space<vmem_shared>> -> memref<80x128xf32, #tpu.memory_space<vmem_shared>>
      %dma_start3A_447 = arith.constant 0 : i32
      %dma_start3A_448 = arith.constant 0 : i32
      %dma_start3A_449 = tpu.memref_slice %arg9[%dma_start3A_447, %dma_start3A_448] : memref<80x128xf32, #tpu.memory_space<vmem>> -> memref<80x128xf32, #tpu.memory_space<vmem>>
      %dma_start3A_450 = arith.constant 0 : i32
      %dma_start3A_451 = tpu.memref_slice %arg10[%add3A_233, %dma_start3A_450] : memref<10000x128xf32, #tpu.memory_space<vmem_shared>> -> memref<80x128xf32, #tpu.memory_space<vmem_shared>>
      tpu.enqueue_dma source(%dma_start3A_451 : memref<80x128xf32, #tpu.memory_space<vmem_shared>>) target(%dma_start3A_449 : memref<80x128xf32, #tpu.memory_space<vmem>>) target_semaphore(%run_scoped3A : memref<!tpu.dma_semaphore, #tpu.memory_space<semaphore_mem>>)
      %dma_wait3A_452 = arith.constant 0 : i32
      %dma_wait3A_453 = arith.constant 0 : i32
      %dma_wait3A_454 = tpu.memref_slice %arg9[%dma_wait3A_452, %dma_wait3A_453] : memref<80x128xf32, #tpu.memory_space<vmem>> -> memref<80x128xf32, #tpu.memory_space<vmem>>
      %dma_wait3A_455 = arith.constant 0 : i32
      %dma_wait3A_456 = tpu.memref_slice %arg10[%add3A_233, %dma_wait3A_455] : memref<10000x128xf32, #tpu.memory_space<vmem_shared>> -> memref<80x128xf32, #tpu.memory_space<vmem_shared>>
      %dma_wait3A_457 = arith.constant 0 : i32
      %dma_wait3A_458 = arith.constant 0 : i32
      %dma_wait3A_459 = tpu.memref_slice %arg9[%dma_wait3A_457, %dma_wait3A_458] : memref<80x128xf32, #tpu.memory_space<vmem>> -> memref<80x128xf32, #tpu.memory_space<vmem>>
      %dma_wait3A_460 = arith.constant 0 : i32
      %dma_wait3A_461 = tpu.memref_slice %arg10[%add3A_233, %dma_wait3A_460] : memref<10000x128xf32, #tpu.memory_space<vmem_shared>> -> memref<80x128xf32, #tpu.memory_space<vmem_shared>>
      tpu.wait_dma2 semaphore(%run_scoped3A : memref<!tpu.dma_semaphore, #tpu.memory_space<semaphore_mem>>) src(%dma_wait3A_461 : memref<80x128xf32, #tpu.memory_space<vmem_shared>>) dst(%dma_wait3A_459 : memref<80x128xf32, #tpu.memory_space<vmem>>)
      tpu.yield
    }) : () -> ()
    %add3A_298 = arith.addi %mul3A_225, %add3A_233 : i32
    %dma_start3A_299 = arith.constant 0 : i32
    %dma_start3A_300 = arith.constant 0 : i32
    %dma_start3A_301 = tpu.memref_slice %arg9[%dma_start3A_299, %dma_start3A_300] : memref<80x128xf32, #tpu.memory_space<vmem>> -> memref<80x128xf32, #tpu.memory_space<vmem>>
    %dma_start3A_302 = arith.constant 0 : i32
    %dma_start3A_303 = tpu.memref_slice %arg5[%add3A_298, %dma_start3A_302] : memref<20000x128xf32, #tpu.memory_space<hbm>> -> memref<80x128xf32, #tpu.memory_space<hbm>>
    %dma_start3A_304 = arith.constant 0 : i32
    %dma_start3A_305 = tpu.memref_slice %arg5[%add3A_298, %dma_start3A_304] : memref<20000x128xf32, #tpu.memory_space<hbm>> -> memref<80x128xf32, #tpu.memory_space<hbm>>
    %dma_start3A_306 = arith.constant 0 : i32
    %dma_start3A_307 = arith.constant 0 : i32
    %dma_start3A_308 = tpu.memref_slice %arg9[%dma_start3A_306, %dma_start3A_307] : memref<80x128xf32, #tpu.memory_space<vmem>> -> memref<80x128xf32, #tpu.memory_space<vmem>>
    tpu.enqueue_dma source(%dma_start3A_308 : memref<80x128xf32, #tpu.memory_space<vmem>>) target(%dma_start3A_305 : memref<80x128xf32, #tpu.memory_space<hbm>>) target_semaphore(%arg14 : memref<!tpu.dma_semaphore, #tpu.memory_space<semaphore_mem>>)
    %add3A_309 = arith.addi %mul3A_225, %add3A_233 : i32
    %dma_wait3A_310 = arith.constant 0 : i32
    %dma_wait3A_311 = arith.constant 0 : i32
    %dma_wait3A_312 = tpu.memref_slice %arg8[%dma_wait3A_310, %dma_wait3A_311] : memref<80x128xf32, #tpu.memory_space<vmem>> -> memref<80x128xf32, #tpu.memory_space<vmem>>
    %dma_wait3A_313 = arith.constant 0 : i32
    %dma_wait3A_314 = tpu.memref_slice %arg5[%add3A_287, %dma_wait3A_313] : memref<20000x128xf32, #tpu.memory_space<hbm>> -> memref<80x128xf32, #tpu.memory_space<hbm>>
    %dma_wait3A_315 = arith.constant 0 : i32
    %dma_wait3A_316 = tpu.memref_slice %arg5[%add3A_287, %dma_wait3A_315] : memref<20000x128xf32, #tpu.memory_space<hbm>> -> memref<80x128xf32, #tpu.memory_space<hbm>>
    %dma_wait3A_317 = arith.constant 0 : i32
    %dma_wait3A_318 = arith.constant 0 : i32
    %dma_wait3A_319 = tpu.memref_slice %arg8[%dma_wait3A_317, %dma_wait3A_318] : memref<80x128xf32, #tpu.memory_space<vmem>> -> memref<80x128xf32, #tpu.memory_space<vmem>>
    tpu.wait_dma2 semaphore(%arg13 : memref<!tpu.dma_semaphore, #tpu.memory_space<semaphore_mem>>) src(%dma_wait3A_319 : memref<80x128xf32, #tpu.memory_space<vmem>>) dst(%dma_wait3A_316 : memref<80x128xf32, #tpu.memory_space<hbm>>)
    "tpu.region"() ({
      %run_scoped3A = tpu.sem_alloc : memref<!tpu.dma_semaphore, #tpu.memory_space<semaphore_mem>>
      %dma_start3A_442 = arith.constant 0 : i32
      %dma_start3A_443 = arith.constant 0 : i32
      %dma_start3A_444 = tpu.memref_slice %arg8[%dma_start3A_442, %dma_start3A_443] : memref<80x128xf32, #tpu.memory_space<vmem>> -> memref<80x128xf32, #tpu.memory_space<vmem>>
      %dma_start3A_445 = arith.constant 0 : i32
      %dma_start3A_446 = tpu.memref_slice %arg10[%add3A_235, %dma_start3A_445] : memref<10000x128xf32, #tpu.memory_space<vmem_shared>> -> memref<80x128xf32, #tpu.memory_space<vmem_shared>>
      %dma_start3A_447 = arith.constant 0 : i32
      %dma_start3A_448 = arith.constant 0 : i32
      %dma_start3A_449 = tpu.memref_slice %arg8[%dma_start3A_447, %dma_start3A_448] : memref<80x128xf32, #tpu.memory_space<vmem>> -> memref<80x128xf32, #tpu.memory_space<vmem>>
      %dma_start3A_450 = arith.constant 0 : i32
      %dma_start3A_451 = tpu.memref_slice %arg10[%add3A_235, %dma_start3A_450] : memref<10000x128xf32, #tpu.memory_space<vmem_shared>> -> memref<80x128xf32, #tpu.memory_space<vmem_shared>>
      tpu.enqueue_dma source(%dma_start3A_451 : memref<80x128xf32, #tpu.memory_space<vmem_shared>>) target(%dma_start3A_449 : memref<80x128xf32, #tpu.memory_space<vmem>>) target_semaphore(%run_scoped3A : memref<!tpu.dma_semaphore, #tpu.memory_space<semaphore_mem>>)
      %dma_wait3A_452 = arith.constant 0 : i32
      %dma_wait3A_453 = arith.constant 0 : i32
      %dma_wait3A_454 = tpu.memref_slice %arg8[%dma_wait3A_452, %dma_wait3A_453] : memref<80x128xf32, #tpu.memory_space<vmem>> -> memref<80x128xf32, #tpu.memory_space<vmem>>
      %dma_wait3A_455 = arith.constant 0 : i32
      %dma_wait3A_456 = tpu.memref_slice %arg10[%add3A_235, %dma_wait3A_455] : memref<10000x128xf32, #tpu.memory_space<vmem_shared>> -> memref<80x128xf32, #tpu.memory_space<vmem_shared>>
      %dma_wait3A_457 = arith.constant 0 : i32
      %dma_wait3A_458 = arith.constant 0 : i32
      %dma_wait3A_459 = tpu.memref_slice %arg8[%dma_wait3A_457, %dma_wait3A_458] : memref<80x128xf32, #tpu.memory_space<vmem>> -> memref<80x128xf32, #tpu.memory_space<vmem>>
      %dma_wait3A_460 = arith.constant 0 : i32
      %dma_wait3A_461 = tpu.memref_slice %arg10[%add3A_235, %dma_wait3A_460] : memref<10000x128xf32, #tpu.memory_space<vmem_shared>> -> memref<80x128xf32, #tpu.memory_space<vmem_shared>>
      tpu.wait_dma2 semaphore(%run_scoped3A : memref<!tpu.dma_semaphore, #tpu.memory_space<semaphore_mem>>) src(%dma_wait3A_461 : memref<80x128xf32, #tpu.memory_space<vmem_shared>>) dst(%dma_wait3A_459 : memref<80x128xf32, #tpu.memory_space<vmem>>)
      tpu.yield
    }) : () -> ()
    %add3A_320 = arith.addi %mul3A_225, %add3A_235 : i32
    %dma_start3A_321 = arith.constant 0 : i32
    %dma_start3A_322 = arith.constant 0 : i32
    %dma_start3A_323 = tpu.memref_slice %arg8[%dma_start3A_321, %dma_start3A_322] : memref<80x128xf32, #tpu.memory_space<vmem>> -> memref<80x128xf32, #tpu.memory_space<vmem>>
    %dma_start3A_324 = arith.constant 0 : i32
    %dma_start3A_325 = tpu.memref_slice %arg5[%add3A_320, %dma_start3A_324] : memref<20000x128xf32, #tpu.memory_space<hbm>> -> memref<80x128xf32, #tpu.memory_space<hbm>>
    %dma_start3A_326 = arith.constant 0 : i32
    %dma_start3A_327 = tpu.memref_slice %arg5[%add3A_320, %dma_start3A_326] : memref<20000x128xf32, #tpu.memory_space<hbm>> -> memref<80x128xf32, #tpu.memory_space<hbm>>
    %dma_start3A_328 = arith.constant 0 : i32
    %dma_start3A_329 = arith.constant 0 : i32
    %dma_start3A_330 = tpu.memref_slice %arg8[%dma_start3A_328, %dma_start3A_329] : memref<80x128xf32, #tpu.memory_space<vmem>> -> memref<80x128xf32, #tpu.memory_space<vmem>>
    tpu.enqueue_dma source(%dma_start3A_330 : memref<80x128xf32, #tpu.memory_space<vmem>>) target(%dma_start3A_327 : memref<80x128xf32, #tpu.memory_space<hbm>>) target_semaphore(%arg13 : memref<!tpu.dma_semaphore, #tpu.memory_space<semaphore_mem>>)
    %add3A_331 = arith.addi %mul3A_225, %add3A_235 : i32
    %dma_wait3A_332 = arith.constant 0 : i32
    %dma_wait3A_333 = arith.constant 0 : i32
    %dma_wait3A_334 = tpu.memref_slice %arg9[%dma_wait3A_332, %dma_wait3A_333] : memref<80x128xf32, #tpu.memory_space<vmem>> -> memref<80x128xf32, #tpu.memory_space<vmem>>
    %dma_wait3A_335 = arith.constant 0 : i32
    %dma_wait3A_336 = tpu.memref_slice %arg5[%add3A_309, %dma_wait3A_335] : memref<20000x128xf32, #tpu.memory_space<hbm>> -> memref<80x128xf32, #tpu.memory_space<hbm>>
    %dma_wait3A_337 = arith.constant 0 : i32
    %dma_wait3A_338 = tpu.memref_slice %arg5[%add3A_309, %dma_wait3A_337] : memref<20000x128xf32, #tpu.memory_space<hbm>> -> memref<80x128xf32, #tpu.memory_space<hbm>>
    %dma_wait3A_339 = arith.constant 0 : i32
    %dma_wait3A_340 = arith.constant 0 : i32
    %dma_wait3A_341 = tpu.memref_slice %arg9[%dma_wait3A_339, %dma_wait3A_340] : memref<80x128xf32, #tpu.memory_space<vmem>> -> memref<80x128xf32, #tpu.memory_space<vmem>>
    tpu.wait_dma2 semaphore(%arg14 : memref<!tpu.dma_semaphore, #tpu.memory_space<semaphore_mem>>) src(%dma_wait3A_341 : memref<80x128xf32, #tpu.memory_space<vmem>>) dst(%dma_wait3A_338 : memref<80x128xf32, #tpu.memory_space<hbm>>)
    "tpu.region"() ({
      %run_scoped3A = tpu.sem_alloc : memref<!tpu.dma_semaphore, #tpu.memory_space<semaphore_mem>>
      %dma_start3A_442 = arith.constant 0 : i32
      %dma_start3A_443 = arith.constant 0 : i32
      %dma_start3A_444 = tpu.memref_slice %arg9[%dma_start3A_442, %dma_start3A_443] : memref<80x128xf32, #tpu.memory_space<vmem>> -> memref<80x128xf32, #tpu.memory_space<vmem>>
      %dma_start3A_445 = arith.constant 0 : i32
      %dma_start3A_446 = tpu.memref_slice %arg10[%add3A_237, %dma_start3A_445] : memref<10000x128xf32, #tpu.memory_space<vmem_shared>> -> memref<80x128xf32, #tpu.memory_space<vmem_shared>>
      %dma_start3A_447 = arith.constant 0 : i32
      %dma_start3A_448 = arith.constant 0 : i32
      %dma_start3A_449 = tpu.memref_slice %arg9[%dma_start3A_447, %dma_start3A_448] : memref<80x128xf32, #tpu.memory_space<vmem>> -> memref<80x128xf32, #tpu.memory_space<vmem>>
      %dma_start3A_450 = arith.constant 0 : i32
      %dma_start3A_451 = tpu.memref_slice %arg10[%add3A_237, %dma_start3A_450] : memref<10000x128xf32, #tpu.memory_space<vmem_shared>> -> memref<80x128xf32, #tpu.memory_space<vmem_shared>>
      tpu.enqueue_dma source(%dma_start3A_451 : memref<80x128xf32, #tpu.memory_space<vmem_shared>>) target(%dma_start3A_449 : memref<80x128xf32, #tpu.memory_space<vmem>>) target_semaphore(%run_scoped3A : memref<!tpu.dma_semaphore, #tpu.memory_space<semaphore_mem>>)
      %dma_wait3A_452 = arith.constant 0 : i32
      %dma_wait3A_453 = arith.constant 0 : i32
      %dma_wait3A_454 = tpu.memref_slice %arg9[%dma_wait3A_452, %dma_wait3A_453] : memref<80x128xf32, #tpu.memory_space<vmem>> -> memref<80x128xf32, #tpu.memory_space<vmem>>
      %dma_wait3A_455 = arith.constant 0 : i32
      %dma_wait3A_456 = tpu.memref_slice %arg10[%add3A_237, %dma_wait3A_455] : memref<10000x128xf32, #tpu.memory_space<vmem_shared>> -> memref<80x128xf32, #tpu.memory_space<vmem_shared>>
      %dma_wait3A_457 = arith.constant 0 : i32
      %dma_wait3A_458 = arith.constant 0 : i32
      %dma_wait3A_459 = tpu.memref_slice %arg9[%dma_wait3A_457, %dma_wait3A_458] : memref<80x128xf32, #tpu.memory_space<vmem>> -> memref<80x128xf32, #tpu.memory_space<vmem>>
      %dma_wait3A_460 = arith.constant 0 : i32
      %dma_wait3A_461 = tpu.memref_slice %arg10[%add3A_237, %dma_wait3A_460] : memref<10000x128xf32, #tpu.memory_space<vmem_shared>> -> memref<80x128xf32, #tpu.memory_space<vmem_shared>>
      tpu.wait_dma2 semaphore(%run_scoped3A : memref<!tpu.dma_semaphore, #tpu.memory_space<semaphore_mem>>) src(%dma_wait3A_461 : memref<80x128xf32, #tpu.memory_space<vmem_shared>>) dst(%dma_wait3A_459 : memref<80x128xf32, #tpu.memory_space<vmem>>)
      tpu.yield
    }) : () -> ()
    %add3A_342 = arith.addi %mul3A_225, %add3A_237 : i32
    %dma_start3A_343 = arith.constant 0 : i32
    %dma_start3A_344 = arith.constant 0 : i32
    %dma_start3A_345 = tpu.memref_slice %arg9[%dma_start3A_343, %dma_start3A_344] : memref<80x128xf32, #tpu.memory_space<vmem>> -> memref<80x128xf32, #tpu.memory_space<vmem>>
    %dma_start3A_346 = arith.constant 0 : i32
    %dma_start3A_347 = tpu.memref_slice %arg5[%add3A_342, %dma_start3A_346] : memref<20000x128xf32, #tpu.memory_space<hbm>> -> memref<80x128xf32, #tpu.memory_space<hbm>>
    %dma_start3A_348 = arith.constant 0 : i32
    %dma_start3A_349 = tpu.memref_slice %arg5[%add3A_342, %dma_start3A_348] : memref<20000x128xf32, #tpu.memory_space<hbm>> -> memref<80x128xf32, #tpu.memory_space<hbm>>
    %dma_start3A_350 = arith.constant 0 : i32
    %dma_start3A_351 = arith.constant 0 : i32
    %dma_start3A_352 = tpu.memref_slice %arg9[%dma_start3A_350, %dma_start3A_351] : memref<80x128xf32, #tpu.memory_space<vmem>> -> memref<80x128xf32, #tpu.memory_space<vmem>>
    tpu.enqueue_dma source(%dma_start3A_352 : memref<80x128xf32, #tpu.memory_space<vmem>>) target(%dma_start3A_349 : memref<80x128xf32, #tpu.memory_space<hbm>>) target_semaphore(%arg14 : memref<!tpu.dma_semaphore, #tpu.memory_space<semaphore_mem>>)
    %add3A_353 = arith.addi %mul3A_225, %add3A_237 : i32
    %dma_wait3A_354 = arith.constant 0 : i32
    %dma_wait3A_355 = arith.constant 0 : i32
    %dma_wait3A_356 = tpu.memref_slice %arg8[%dma_wait3A_354, %dma_wait3A_355] : memref<80x128xf32, #tpu.memory_space<vmem>> -> memref<80x128xf32, #tpu.memory_space<vmem>>
    %dma_wait3A_357 = arith.constant 0 : i32
    %dma_wait3A_358 = tpu.memref_slice %arg5[%add3A_331, %dma_wait3A_357] : memref<20000x128xf32, #tpu.memory_space<hbm>> -> memref<80x128xf32, #tpu.memory_space<hbm>>
    %dma_wait3A_359 = arith.constant 0 : i32
    %dma_wait3A_360 = tpu.memref_slice %arg5[%add3A_331, %dma_wait3A_359] : memref<20000x128xf32, #tpu.memory_space<hbm>> -> memref<80x128xf32, #tpu.memory_space<hbm>>
    %dma_wait3A_361 = arith.constant 0 : i32
    %dma_wait3A_362 = arith.constant 0 : i32
    %dma_wait3A_363 = tpu.memref_slice %arg8[%dma_wait3A_361, %dma_wait3A_362] : memref<80x128xf32, #tpu.memory_space<vmem>> -> memref<80x128xf32, #tpu.memory_space<vmem>>
    tpu.wait_dma2 semaphore(%arg13 : memref<!tpu.dma_semaphore, #tpu.memory_space<semaphore_mem>>) src(%dma_wait3A_363 : memref<80x128xf32, #tpu.memory_space<vmem>>) dst(%dma_wait3A_360 : memref<80x128xf32, #tpu.memory_space<hbm>>)
    "tpu.region"() ({
      %run_scoped3A = tpu.sem_alloc : memref<!tpu.dma_semaphore, #tpu.memory_space<semaphore_mem>>
      %dma_start3A_442 = arith.constant 0 : i32
      %dma_start3A_443 = arith.constant 0 : i32
      %dma_start3A_444 = tpu.memref_slice %arg8[%dma_start3A_442, %dma_start3A_443] : memref<80x128xf32, #tpu.memory_space<vmem>> -> memref<80x128xf32, #tpu.memory_space<vmem>>
      %dma_start3A_445 = arith.constant 0 : i32
      %dma_start3A_446 = tpu.memref_slice %arg10[%add3A_239, %dma_start3A_445] : memref<10000x128xf32, #tpu.memory_space<vmem_shared>> -> memref<80x128xf32, #tpu.memory_space<vmem_shared>>
      %dma_start3A_447 = arith.constant 0 : i32
      %dma_start3A_448 = arith.constant 0 : i32
      %dma_start3A_449 = tpu.memref_slice %arg8[%dma_start3A_447, %dma_start3A_448] : memref<80x128xf32, #tpu.memory_space<vmem>> -> memref<80x128xf32, #tpu.memory_space<vmem>>
      %dma_start3A_450 = arith.constant 0 : i32
      %dma_start3A_451 = tpu.memref_slice %arg10[%add3A_239, %dma_start3A_450] : memref<10000x128xf32, #tpu.memory_space<vmem_shared>> -> memref<80x128xf32, #tpu.memory_space<vmem_shared>>
      tpu.enqueue_dma source(%dma_start3A_451 : memref<80x128xf32, #tpu.memory_space<vmem_shared>>) target(%dma_start3A_449 : memref<80x128xf32, #tpu.memory_space<vmem>>) target_semaphore(%run_scoped3A : memref<!tpu.dma_semaphore, #tpu.memory_space<semaphore_mem>>)
      %dma_wait3A_452 = arith.constant 0 : i32
      %dma_wait3A_453 = arith.constant 0 : i32
      %dma_wait3A_454 = tpu.memref_slice %arg8[%dma_wait3A_452, %dma_wait3A_453] : memref<80x128xf32, #tpu.memory_space<vmem>> -> memref<80x128xf32, #tpu.memory_space<vmem>>
      %dma_wait3A_455 = arith.constant 0 : i32
      %dma_wait3A_456 = tpu.memref_slice %arg10[%add3A_239, %dma_wait3A_455] : memref<10000x128xf32, #tpu.memory_space<vmem_shared>> -> memref<80x128xf32, #tpu.memory_space<vmem_shared>>
      %dma_wait3A_457 = arith.constant 0 : i32
      %dma_wait3A_458 = arith.constant 0 : i32
      %dma_wait3A_459 = tpu.memref_slice %arg8[%dma_wait3A_457, %dma_wait3A_458] : memref<80x128xf32, #tpu.memory_space<vmem>> -> memref<80x128xf32, #tpu.memory_space<vmem>>
      %dma_wait3A_460 = arith.constant 0 : i32
      %dma_wait3A_461 = tpu.memref_slice %arg10[%add3A_239, %dma_wait3A_460] : memref<10000x128xf32, #tpu.memory_space<vmem_shared>> -> memref<80x128xf32, #tpu.memory_space<vmem_shared>>
      tpu.wait_dma2 semaphore(%run_scoped3A : memref<!tpu.dma_semaphore, #tpu.memory_space<semaphore_mem>>) src(%dma_wait3A_461 : memref<80x128xf32, #tpu.memory_space<vmem_shared>>) dst(%dma_wait3A_459 : memref<80x128xf32, #tpu.memory_space<vmem>>)
      tpu.yield
    }) : () -> ()
    %add3A_364 = arith.addi %mul3A_225, %add3A_239 : i32
    %dma_start3A_365 = arith.constant 0 : i32
    %dma_start3A_366 = arith.constant 0 : i32
    %dma_start3A_367 = tpu.memref_slice %arg8[%dma_start3A_365, %dma_start3A_366] : memref<80x128xf32, #tpu.memory_space<vmem>> -> memref<80x128xf32, #tpu.memory_space<vmem>>
    %dma_start3A_368 = arith.constant 0 : i32
    %dma_start3A_369 = tpu.memref_slice %arg5[%add3A_364, %dma_start3A_368] : memref<20000x128xf32, #tpu.memory_space<hbm>> -> memref<80x128xf32, #tpu.memory_space<hbm>>
    %dma_start3A_370 = arith.constant 0 : i32
    %dma_start3A_371 = tpu.memref_slice %arg5[%add3A_364, %dma_start3A_370] : memref<20000x128xf32, #tpu.memory_space<hbm>> -> memref<80x128xf32, #tpu.memory_space<hbm>>
    %dma_start3A_372 = arith.constant 0 : i32
    %dma_start3A_373 = arith.constant 0 : i32
    %dma_start3A_374 = tpu.memref_slice %arg8[%dma_start3A_372, %dma_start3A_373] : memref<80x128xf32, #tpu.memory_space<vmem>> -> memref<80x128xf32, #tpu.memory_space<vmem>>
    tpu.enqueue_dma source(%dma_start3A_374 : memref<80x128xf32, #tpu.memory_space<vmem>>) target(%dma_start3A_371 : memref<80x128xf32, #tpu.memory_space<hbm>>) target_semaphore(%arg13 : memref<!tpu.dma_semaphore, #tpu.memory_space<semaphore_mem>>)
    %add3A_375 = arith.addi %mul3A_225, %add3A_239 : i32
    %dma_wait3A_376 = arith.constant 0 : i32
    %dma_wait3A_377 = arith.constant 0 : i32
    %dma_wait3A_378 = tpu.memref_slice %arg9[%dma_wait3A_376, %dma_wait3A_377] : memref<80x128xf32, #tpu.memory_space<vmem>> -> memref<80x128xf32, #tpu.memory_space<vmem>>
    %dma_wait3A_379 = arith.constant 0 : i32
    %dma_wait3A_380 = tpu.memref_slice %arg5[%add3A_353, %dma_wait3A_379] : memref<20000x128xf32, #tpu.memory_space<hbm>> -> memref<80x128xf32, #tpu.memory_space<hbm>>
    %dma_wait3A_381 = arith.constant 0 : i32
    %dma_wait3A_382 = tpu.memref_slice %arg5[%add3A_353, %dma_wait3A_381] : memref<20000x128xf32, #tpu.memory_space<hbm>> -> memref<80x128xf32, #tpu.memory_space<hbm>>
    %dma_wait3A_383 = arith.constant 0 : i32
    %dma_wait3A_384 = arith.constant 0 : i32
    %dma_wait3A_385 = tpu.memref_slice %arg9[%dma_wait3A_383, %dma_wait3A_384] : memref<80x128xf32, #tpu.memory_space<vmem>> -> memref<80x128xf32, #tpu.memory_space<vmem>>
    tpu.wait_dma2 semaphore(%arg14 : memref<!tpu.dma_semaphore, #tpu.memory_space<semaphore_mem>>) src(%dma_wait3A_385 : memref<80x128xf32, #tpu.memory_space<vmem>>) dst(%dma_wait3A_382 : memref<80x128xf32, #tpu.memory_space<hbm>>)
    "tpu.region"() ({
      %run_scoped3A = tpu.sem_alloc : memref<!tpu.dma_semaphore, #tpu.memory_space<semaphore_mem>>
      %dma_start3A_442 = arith.constant 0 : i32
      %dma_start3A_443 = arith.constant 0 : i32
      %dma_start3A_444 = tpu.memref_slice %arg9[%dma_start3A_442, %dma_start3A_443] : memref<80x128xf32, #tpu.memory_space<vmem>> -> memref<64x128xf32, #tpu.memory_space<vmem>>
      %dma_start3A_445 = arith.constant 0 : i32
      %dma_start3A_446 = tpu.memref_slice %arg10[%add3A_241, %dma_start3A_445] : memref<10000x128xf32, #tpu.memory_space<vmem_shared>> -> memref<64x128xf32, #tpu.memory_space<vmem_shared>>
      %dma_start3A_447 = arith.constant 0 : i32
      %dma_start3A_448 = arith.constant 0 : i32
      %dma_start3A_449 = tpu.memref_slice %arg9[%dma_start3A_447, %dma_start3A_448] : memref<80x128xf32, #tpu.memory_space<vmem>> -> memref<64x128xf32, #tpu.memory_space<vmem>>
      %dma_start3A_450 = arith.constant 0 : i32
      %dma_start3A_451 = tpu.memref_slice %arg10[%add3A_241, %dma_start3A_450] : memref<10000x128xf32, #tpu.memory_space<vmem_shared>> -> memref<64x128xf32, #tpu.memory_space<vmem_shared>>
      tpu.enqueue_dma source(%dma_start3A_451 : memref<64x128xf32, #tpu.memory_space<vmem_shared>>) target(%dma_start3A_449 : memref<64x128xf32, #tpu.memory_space<vmem>>) target_semaphore(%run_scoped3A : memref<!tpu.dma_semaphore, #tpu.memory_space<semaphore_mem>>)
      %dma_wait3A_452 = arith.constant 0 : i32
      %dma_wait3A_453 = arith.constant 0 : i32
      %dma_wait3A_454 = tpu.memref_slice %arg9[%dma_wait3A_452, %dma_wait3A_453] : memref<80x128xf32, #tpu.memory_space<vmem>> -> memref<64x128xf32, #tpu.memory_space<vmem>>
      %dma_wait3A_455 = arith.constant 0 : i32
      %dma_wait3A_456 = tpu.memref_slice %arg10[%add3A_241, %dma_wait3A_455] : memref<10000x128xf32, #tpu.memory_space<vmem_shared>> -> memref<64x128xf32, #tpu.memory_space<vmem_shared>>
      %dma_wait3A_457 = arith.constant 0 : i32
      %dma_wait3A_458 = arith.constant 0 : i32
      %dma_wait3A_459 = tpu.memref_slice %arg9[%dma_wait3A_457, %dma_wait3A_458] : memref<80x128xf32, #tpu.memory_space<vmem>> -> memref<64x128xf32, #tpu.memory_space<vmem>>
      %dma_wait3A_460 = arith.constant 0 : i32
      %dma_wait3A_461 = tpu.memref_slice %arg10[%add3A_241, %dma_wait3A_460] : memref<10000x128xf32, #tpu.memory_space<vmem_shared>> -> memref<64x128xf32, #tpu.memory_space<vmem_shared>>
      tpu.wait_dma2 semaphore(%run_scoped3A : memref<!tpu.dma_semaphore, #tpu.memory_space<semaphore_mem>>) src(%dma_wait3A_461 : memref<64x128xf32, #tpu.memory_space<vmem_shared>>) dst(%dma_wait3A_459 : memref<64x128xf32, #tpu.memory_space<vmem>>)
      tpu.yield
    }) : () -> ()
    %add3A_386 = arith.addi %mul3A_225, %add3A_241 : i32
    %dma_start3A_387 = arith.constant 0 : i32
    %dma_start3A_388 = arith.constant 0 : i32
    %dma_start3A_389 = tpu.memref_slice %arg9[%dma_start3A_387, %dma_start3A_388] : memref<80x128xf32, #tpu.memory_space<vmem>> -> memref<64x128xf32, #tpu.memory_space<vmem>>
    %dma_start3A_390 = arith.constant 0 : i32
    %dma_start3A_391 = tpu.memref_slice %arg5[%add3A_386, %dma_start3A_390] : memref<20000x128xf32, #tpu.memory_space<hbm>> -> memref<64x128xf32, #tpu.memory_space<hbm>>
    %dma_start3A_392 = arith.constant 0 : i32
    %dma_start3A_393 = tpu.memref_slice %arg5[%add3A_386, %dma_start3A_392] : memref<20000x128xf32, #tpu.memory_space<hbm>> -> memref<64x128xf32, #tpu.memory_space<hbm>>
    %dma_start3A_394 = arith.constant 0 : i32
    %dma_start3A_395 = arith.constant 0 : i32
    %dma_start3A_396 = tpu.memref_slice %arg9[%dma_start3A_394, %dma_start3A_395] : memref<80x128xf32, #tpu.memory_space<vmem>> -> memref<64x128xf32, #tpu.memory_space<vmem>>
    tpu.enqueue_dma source(%dma_start3A_396 : memref<64x128xf32, #tpu.memory_space<vmem>>) target(%dma_start3A_393 : memref<64x128xf32, #tpu.memory_space<hbm>>) target_semaphore(%arg14 : memref<!tpu.dma_semaphore, #tpu.memory_space<semaphore_mem>>)
    %add3A_397 = arith.addi %mul3A_225, %add3A_241 : i32
    %dma_wait3A_398 = arith.constant 0 : i32
    %dma_wait3A_399 = arith.constant 0 : i32
    %dma_wait3A_400 = tpu.memref_slice %arg8[%dma_wait3A_398, %dma_wait3A_399] : memref<80x128xf32, #tpu.memory_space<vmem>> -> memref<80x128xf32, #tpu.memory_space<vmem>>
    %dma_wait3A_401 = arith.constant 0 : i32
    %dma_wait3A_402 = tpu.memref_slice %arg5[%add3A_375, %dma_wait3A_401] : memref<20000x128xf32, #tpu.memory_space<hbm>> -> memref<80x128xf32, #tpu.memory_space<hbm>>
    %dma_wait3A_403 = arith.constant 0 : i32
    %dma_wait3A_404 = tpu.memref_slice %arg5[%add3A_375, %dma_wait3A_403] : memref<20000x128xf32, #tpu.memory_space<hbm>> -> memref<80x128xf32, #tpu.memory_space<hbm>>
    %dma_wait3A_405 = arith.constant 0 : i32
    %dma_wait3A_406 = arith.constant 0 : i32
    %dma_wait3A_407 = tpu.memref_slice %arg8[%dma_wait3A_405, %dma_wait3A_406] : memref<80x128xf32, #tpu.memory_space<vmem>> -> memref<80x128xf32, #tpu.memory_space<vmem>>
    tpu.wait_dma2 semaphore(%arg13 : memref<!tpu.dma_semaphore, #tpu.memory_space<semaphore_mem>>) src(%dma_wait3A_407 : memref<80x128xf32, #tpu.memory_space<vmem>>) dst(%dma_wait3A_404 : memref<80x128xf32, #tpu.memory_space<hbm>>)
    "tpu.region"() ({
      %run_scoped3A = tpu.sem_alloc : memref<!tpu.dma_semaphore, #tpu.memory_space<semaphore_mem>>
      %dma_start3A_442 = arith.constant 0 : i32
      %dma_start3A_443 = arith.constant 0 : i32
      %dma_start3A_444 = tpu.memref_slice %arg8[%dma_start3A_442, %dma_start3A_443] : memref<80x128xf32, #tpu.memory_space<vmem>> -> memref<16x128xf32, #tpu.memory_space<vmem>>
      %dma_start3A_445 = arith.constant 9984 : i32
      %dma_start3A_446 = arith.constant 0 : i32
      %dma_start3A_447 = tpu.memref_slice %arg10[%dma_start3A_445, %dma_start3A_446] : memref<10000x128xf32, #tpu.memory_space<vmem_shared>> -> memref<16x128xf32, #tpu.memory_space<vmem_shared>>
      %dma_start3A_448 = arith.constant 0 : i32
      %dma_start3A_449 = arith.constant 0 : i32
      %dma_start3A_450 = tpu.memref_slice %arg8[%dma_start3A_448, %dma_start3A_449] : memref<80x128xf32, #tpu.memory_space<vmem>> -> memref<16x128xf32, #tpu.memory_space<vmem>>
      %dma_start3A_451 = arith.constant 9984 : i32
      %dma_start3A_452 = arith.constant 0 : i32
      %dma_start3A_453 = tpu.memref_slice %arg10[%dma_start3A_451, %dma_start3A_452] : memref<10000x128xf32, #tpu.memory_space<vmem_shared>> -> memref<16x128xf32, #tpu.memory_space<vmem_shared>>
      tpu.enqueue_dma source(%dma_start3A_453 : memref<16x128xf32, #tpu.memory_space<vmem_shared>>) target(%dma_start3A_450 : memref<16x128xf32, #tpu.memory_space<vmem>>) target_semaphore(%run_scoped3A : memref<!tpu.dma_semaphore, #tpu.memory_space<semaphore_mem>>)
      %dma_wait3A_454 = arith.constant 0 : i32
      %dma_wait3A_455 = arith.constant 0 : i32
      %dma_wait3A_456 = tpu.memref_slice %arg8[%dma_wait3A_454, %dma_wait3A_455] : memref<80x128xf32, #tpu.memory_space<vmem>> -> memref<16x128xf32, #tpu.memory_space<vmem>>
      %dma_wait3A_457 = arith.constant 9984 : i32
      %dma_wait3A_458 = arith.constant 0 : i32
      %dma_wait3A_459 = tpu.memref_slice %arg10[%dma_wait3A_457, %dma_wait3A_458] : memref<10000x128xf32, #tpu.memory_space<vmem_shared>> -> memref<16x128xf32, #tpu.memory_space<vmem_shared>>
      %dma_wait3A_460 = arith.constant 0 : i32
      %dma_wait3A_461 = arith.constant 0 : i32
      %dma_wait3A_462 = tpu.memref_slice %arg8[%dma_wait3A_460, %dma_wait3A_461] : memref<80x128xf32, #tpu.memory_space<vmem>> -> memref<16x128xf32, #tpu.memory_space<vmem>>
      %dma_wait3A_463 = arith.constant 9984 : i32
      %dma_wait3A_464 = arith.constant 0 : i32
      %dma_wait3A_465 = tpu.memref_slice %arg10[%dma_wait3A_463, %dma_wait3A_464] : memref<10000x128xf32, #tpu.memory_space<vmem_shared>> -> memref<16x128xf32, #tpu.memory_space<vmem_shared>>
      tpu.wait_dma2 semaphore(%run_scoped3A : memref<!tpu.dma_semaphore, #tpu.memory_space<semaphore_mem>>) src(%dma_wait3A_465 : memref<16x128xf32, #tpu.memory_space<vmem_shared>>) dst(%dma_wait3A_462 : memref<16x128xf32, #tpu.memory_space<vmem>>)
      tpu.yield
    }) : () -> ()
    %add3A_408 = arith.constant 9984 : i32
    %add3A_409 = arith.addi %mul3A_225, %add3A_408 : i32
    %dma_start3A_410 = arith.constant 0 : i32
    %dma_start3A_411 = arith.constant 0 : i32
    %dma_start3A_412 = tpu.memref_slice %arg8[%dma_start3A_410, %dma_start3A_411] : memref<80x128xf32, #tpu.memory_space<vmem>> -> memref<16x128xf32, #tpu.memory_space<vmem>>
    %dma_start3A_413 = arith.constant 0 : i32
    %dma_start3A_414 = tpu.memref_slice %arg5[%add3A_409, %dma_start3A_413] : memref<20000x128xf32, #tpu.memory_space<hbm>> -> memref<16x128xf32, #tpu.memory_space<hbm>>
    %dma_start3A_415 = arith.constant 0 : i32
    %dma_start3A_416 = tpu.memref_slice %arg5[%add3A_409, %dma_start3A_415] : memref<20000x128xf32, #tpu.memory_space<hbm>> -> memref<16x128xf32, #tpu.memory_space<hbm>>
    %dma_start3A_417 = arith.constant 0 : i32
    %dma_start3A_418 = arith.constant 0 : i32
    %dma_start3A_419 = tpu.memref_slice %arg8[%dma_start3A_417, %dma_start3A_418] : memref<80x128xf32, #tpu.memory_space<vmem>> -> memref<16x128xf32, #tpu.memory_space<vmem>>
    tpu.enqueue_dma source(%dma_start3A_419 : memref<16x128xf32, #tpu.memory_space<vmem>>) target(%dma_start3A_416 : memref<16x128xf32, #tpu.memory_space<hbm>>) target_semaphore(%arg13 : memref<!tpu.dma_semaphore, #tpu.memory_space<semaphore_mem>>)
    %add3A_420 = arith.constant 9984 : i32
    %add3A_421 = arith.addi %mul3A_225, %add3A_420 : i32
    %dma_wait3A_422 = arith.constant 0 : i32
    %dma_wait3A_423 = arith.constant 0 : i32
    %dma_wait3A_424 = tpu.memref_slice %arg8[%dma_wait3A_422, %dma_wait3A_423] : memref<80x128xf32, #tpu.memory_space<vmem>> -> memref<16x128xf32, #tpu.memory_space<vmem>>
    %dma_wait3A_425 = arith.constant 0 : i32
    %dma_wait3A_426 = tpu.memref_slice %arg5[%add3A_421, %dma_wait3A_425] : memref<20000x128xf32, #tpu.memory_space<hbm>> -> memref<16x128xf32, #tpu.memory_space<hbm>>
    %dma_wait3A_427 = arith.constant 0 : i32
    %dma_wait3A_428 = tpu.memref_slice %arg5[%add3A_421, %dma_wait3A_427] : memref<20000x128xf32, #tpu.memory_space<hbm>> -> memref<16x128xf32, #tpu.memory_space<hbm>>
    %dma_wait3A_429 = arith.constant 0 : i32
    %dma_wait3A_430 = arith.constant 0 : i32
    %dma_wait3A_431 = tpu.memref_slice %arg8[%dma_wait3A_429, %dma_wait3A_430] : memref<80x128xf32, #tpu.memory_space<vmem>> -> memref<16x128xf32, #tpu.memory_space<vmem>>
    tpu.wait_dma2 semaphore(%arg13 : memref<!tpu.dma_semaphore, #tpu.memory_space<semaphore_mem>>) src(%dma_wait3A_431 : memref<16x128xf32, #tpu.memory_space<vmem>>) dst(%dma_wait3A_428 : memref<16x128xf32, #tpu.memory_space<hbm>>)
    %dma_wait3A_432 = arith.constant 0 : i32
    %dma_wait3A_433 = arith.constant 0 : i32
    %dma_wait3A_434 = tpu.memref_slice %arg9[%dma_wait3A_432, %dma_wait3A_433] : memref<80x128xf32, #tpu.memory_space<vmem>> -> memref<64x128xf32, #tpu.memory_space<vmem>>
    %dma_wait3A_435 = arith.constant 0 : i32
    %dma_wait3A_436 = tpu.memref_slice %arg5[%add3A_397, %dma_wait3A_435] : memref<20000x128xf32, #tpu.memory_space<hbm>> -> memref<64x128xf32, #tpu.memory_space<hbm>>
    %dma_wait3A_437 = arith.constant 0 : i32
    %dma_wait3A_438 = tpu.memref_slice %arg5[%add3A_397, %dma_wait3A_437] : memref<20000x128xf32, #tpu.memory_space<hbm>> -> memref<64x128xf32, #tpu.memory_space<hbm>>
    %dma_wait3A_439 = arith.constant 0 : i32
    %dma_wait3A_440 = arith.constant 0 : i32
    %dma_wait3A_441 = tpu.memref_slice %arg9[%dma_wait3A_439, %dma_wait3A_440] : memref<80x128xf32, #tpu.memory_space<vmem>> -> memref<64x128xf32, #tpu.memory_space<vmem>>
    tpu.wait_dma2 semaphore(%arg14 : memref<!tpu.dma_semaphore, #tpu.memory_space<semaphore_mem>>) src(%dma_wait3A_441 : memref<64x128xf32, #tpu.memory_space<vmem>>) dst(%dma_wait3A_438 : memref<64x128xf32, #tpu.memory_space<hbm>>)
    return
  }
}

#map = affine_map<(d0, d1) -> (0, 0, 0)>
#map1 = affine_map<(d0, d1) -> (0)>
module attributes {stable_mosaic.version = 14 : i64} {
  func.func @deg_kernel(%arg0: i32, %arg1: i32, %arg2: memref<32x125x80xi32, #tpu.memory_space<hbm>>, %arg3: memref<20000xf32, #tpu.memory_space<hbm>>, %arg4: memref<125x80xi32, #tpu.memory_space<vmem>>, %arg5: memref<80xf32, #tpu.memory_space<vmem>>, %arg6: memref<10000xf32, #tpu.memory_space<vmem>>, %arg7: memref<10000xf32, #tpu.memory_space<vmem_shared>>, %arg8: memref<!tpu.dma_semaphore, #tpu.memory_space<semaphore_mem>>) attributes {dimension_semantics = [#tpu.dimension_semantics<core_parallel>, #tpu.dimension_semantics<subcore_parallel>], iteration_bounds = array<i64: 2, 16>, scalar_prefetch = 0 : i64, scratch_operands = 5 : i64, tpu.core_type = #tpu.core_type<sc_vector_subcore>, window_params = [{transform_indices = #map}, {transform_indices = #map1}]} {
    %mul3A = arith.constant 16 : i32
    %mul3A_0 = arith.muli %arg0, %mul3A : i32
    %add3A = arith.addi %mul3A_0, %arg1 : i32
    %broadcast_in_dim3A = arith.constant 1.000000e+00 : f32
    %broadcast_in_dim3A_1 = vector.broadcast %broadcast_in_dim3A : f32 to vector<16xf32>
    %broadcast_in_dim3A_2 = arith.constant 0.000000e+00 : f32
    %broadcast_in_dim3A_3 = vector.broadcast %broadcast_in_dim3A_2 : f32 to vector<16xf32>
    %scan3A = arith.constant 0 : i32
    %scan3A_4 = arith.constant 5 : i32
    %scan3A_5 = arith.addi %scan3A, %scan3A_4 : i32
    %scan3A_6 = arith.constant 1 : i32
    scf.for %scan3A_79 = %scan3A to %scan3A_5 step %scan3A_6  : i32 {
      %mul3A_80 = arith.constant 1 : i32
      %mul3A_81 = arith.muli %scan3A_79, %mul3A_80 : i32
      %add3A_82 = arith.constant 0 : i32
      %add3A_83 = arith.addi %add3A_82, %mul3A_81 : i32
      %mul3A_84 = arith.constant 16 : i32
      %mul3A_85 = arith.muli %add3A_83, %mul3A_84 : i32
      %swap3A = arith.index_cast %mul3A_85 : i32 to index
      %swap3A_86 = tpu.vector_load %arg5[%swap3A] {strides = array<i32>} : memref<80xf32, #tpu.memory_space<vmem>>, vector<16xf32>,
      %swap3A_87 = vector.shape_cast %swap3A_86 : vector<16xf32> to vector<16xf32>
      %swap3A_88 = vector.shape_cast %broadcast_in_dim3A_1 : vector<16xf32> to vector<16xf32>
      tpu.vector_store %arg5[%swap3A], %swap3A_88 {strides = array<i32>} : memref<80xf32, #tpu.memory_space<vmem>>, vector<16xf32>,
    }
    %scan3A_7 = arith.constant 5 : i32
    %scan3A_8 = arith.constant 0 : i32
    %scan3A_9 = arith.constant 625 : i32
    %scan3A_10 = arith.addi %scan3A_8, %scan3A_9 : i32
    %scan3A_11 = arith.constant 1 : i32
    scf.for %scan3A_79 = %scan3A_8 to %scan3A_10 step %scan3A_11  : i32 {
      %mul3A_80 = arith.constant 1 : i32
      %mul3A_81 = arith.muli %scan3A_79, %mul3A_80 : i32
      %add3A_82 = arith.constant 0 : i32
      %add3A_83 = arith.addi %add3A_82, %mul3A_81 : i32
      %mul3A_84 = arith.constant 16 : i32
      %mul3A_85 = arith.muli %add3A_83, %mul3A_84 : i32
      %swap3A = arith.index_cast %mul3A_85 : i32 to index
      %swap3A_86 = tpu.vector_load %arg6[%swap3A] {strides = array<i32>} : memref<10000xf32, #tpu.memory_space<vmem>>, vector<16xf32>,
      %swap3A_87 = vector.shape_cast %swap3A_86 : vector<16xf32> to vector<16xf32>
      %swap3A_88 = vector.shape_cast %broadcast_in_dim3A_3 : vector<16xf32> to vector<16xf32>
      tpu.vector_store %arg6[%swap3A], %swap3A_88 {strides = array<i32>} : memref<10000xf32, #tpu.memory_space<vmem>>, vector<16xf32>,
    }
    %scan3A_12 = arith.constant 625 : i32
    "tpu.region"() ({
      %run_scoped3A = tpu.sem_alloc : memref<!tpu.dma_semaphore, #tpu.memory_space<semaphore_mem>>
      tpu.enqueue_dma source(%arg6 : memref<10000xf32, #tpu.memory_space<vmem>>) target(%arg7 : memref<10000xf32, #tpu.memory_space<vmem_shared>>) target_semaphore(%run_scoped3A : memref<!tpu.dma_semaphore, #tpu.memory_space<semaphore_mem>>)
      tpu.wait_dma2 semaphore(%run_scoped3A : memref<!tpu.dma_semaphore, #tpu.memory_space<semaphore_mem>>) src(%arg6 : memref<10000xf32, #tpu.memory_space<vmem>>) dst(%arg7 : memref<10000xf32, #tpu.memory_space<vmem_shared>>)
      tpu.yield
    }) : () -> ()
    %barrier3A = arith.constant 0 : index
    tpu.barrier barrier_id(%barrier3A)
    "tpu.region"() ({
      %run_scoped3A = tpu.sem_alloc : memref<!tpu.dma_semaphore, #tpu.memory_space<semaphore_mem>>
      %dma_start3A_79 = arith.constant 0 : i32
      %dma_start3A_80 = arith.constant 0 : i32
      %dma_start3A_81 = tpu.memref_slice %arg2[%add3A, %dma_start3A_79, %dma_start3A_80] : memref<32x125x80xi32, #tpu.memory_space<hbm>> -> memref<1x125x80xi32, #tpu.memory_space<hbm>>
      %dma_start3A_82 = tpu.memref_squeeze %dma_start3A_81 : memref<1x125x80xi32, #tpu.memory_space<hbm>> -> memref<125x80xi32, #tpu.memory_space<hbm>>
      %dma_start3A_83 = arith.constant 0 : i32
      %dma_start3A_84 = arith.constant 0 : i32
      %dma_start3A_85 = tpu.memref_slice %arg2[%add3A, %dma_start3A_83, %dma_start3A_84] : memref<32x125x80xi32, #tpu.memory_space<hbm>> -> memref<1x125x80xi32, #tpu.memory_space<hbm>>
      %dma_start3A_86 = tpu.memref_squeeze %dma_start3A_85 : memref<1x125x80xi32, #tpu.memory_space<hbm>> -> memref<125x80xi32, #tpu.memory_space<hbm>>
      tpu.enqueue_dma source(%dma_start3A_86 : memref<125x80xi32, #tpu.memory_space<hbm>>) target(%arg4 : memref<125x80xi32, #tpu.memory_space<vmem>>) target_semaphore(%run_scoped3A : memref<!tpu.dma_semaphore, #tpu.memory_space<semaphore_mem>>)
      %dma_wait3A_87 = arith.constant 0 : i32
      %dma_wait3A_88 = arith.constant 0 : i32
      %dma_wait3A_89 = tpu.memref_slice %arg2[%add3A, %dma_wait3A_87, %dma_wait3A_88] : memref<32x125x80xi32, #tpu.memory_space<hbm>> -> memref<1x125x80xi32, #tpu.memory_space<hbm>>
      %dma_wait3A_90 = tpu.memref_squeeze %dma_wait3A_89 : memref<1x125x80xi32, #tpu.memory_space<hbm>> -> memref<125x80xi32, #tpu.memory_space<hbm>>
      %dma_wait3A_91 = arith.constant 0 : i32
      %dma_wait3A_92 = arith.constant 0 : i32
      %dma_wait3A_93 = tpu.memref_slice %arg2[%add3A, %dma_wait3A_91, %dma_wait3A_92] : memref<32x125x80xi32, #tpu.memory_space<hbm>> -> memref<1x125x80xi32, #tpu.memory_space<hbm>>
      %dma_wait3A_94 = tpu.memref_squeeze %dma_wait3A_93 : memref<1x125x80xi32, #tpu.memory_space<hbm>> -> memref<125x80xi32, #tpu.memory_space<hbm>>
      tpu.wait_dma2 semaphore(%run_scoped3A : memref<!tpu.dma_semaphore, #tpu.memory_space<semaphore_mem>>) src(%dma_wait3A_94 : memref<125x80xi32, #tpu.memory_space<hbm>>) dst(%arg4 : memref<125x80xi32, #tpu.memory_space<vmem>>)
      tpu.yield
    }) : () -> ()
    %scan3A_13 = arith.constant 0 : i32
    %scan3A_14 = arith.constant 15 : i32
    %scan3A_15 = arith.addi %scan3A_13, %scan3A_14 : i32
    %scan3A_16 = arith.constant 1 : i32
    scf.for %scan3A_79 = %scan3A_13 to %scan3A_15 step %scan3A_16  : i32 {
      %mul3A_80 = arith.constant 1 : i32
      %mul3A_81 = arith.muli %scan3A_79, %mul3A_80 : i32
      %add3A_82 = arith.constant 0 : i32
      %add3A_83 = arith.addi %add3A_82, %mul3A_81 : i32
      %mul3A_84 = arith.constant 8 : i32
      %mul3A_85 = arith.muli %mul3A_84, %add3A_83 : i32
      %add3A_86 = arith.constant 0 : i32
      %add3A_87 = arith.addi %mul3A_85, %add3A_86 : i32
      %dma_start3A_88 = arith.constant 0 : i32
      %dma_start3A_89 = tpu.memref_slice %arg4[%add3A_87, %dma_start3A_88] : memref<125x80xi32, #tpu.memory_space<vmem>> -> memref<1x80xi32, #tpu.memory_space<vmem>>
      %dma_start3A_90 = tpu.memref_squeeze %dma_start3A_89 : memref<1x80xi32, #tpu.memory_space<vmem>> -> memref<80xi32, #tpu.memory_space<vmem>>
      %dma_start3A_91 = arith.constant 0 : i32
      %dma_start3A_92 = tpu.memref_slice %arg7[%dma_start3A_91] : memref<10000xf32, #tpu.memory_space<vmem_shared>> -> memref<10000xf32, #tpu.memory_space<vmem_shared>>
      tpu.enqueue_indirect_dma source(%arg5 : memref<80xf32, #tpu.memory_space<vmem>>) target(%dma_start3A_92 : memref<10000xf32, #tpu.memory_space<vmem_shared>>) offsets(%dma_start3A_90 : memref<80xi32, #tpu.memory_space<vmem>>) semaphore(%arg8 : memref<!tpu.dma_semaphore, #tpu.memory_space<semaphore_mem>>) {add = true}
      %mul3A_93 = arith.constant 8 : i32
      %mul3A_94 = arith.muli %mul3A_93, %add3A_83 : i32
      %add3A_95 = arith.constant 1 : i32
      %add3A_96 = arith.addi %mul3A_94, %add3A_95 : i32
      %dma_start3A_97 = arith.constant 0 : i32
      %dma_start3A_98 = tpu.memref_slice %arg4[%add3A_96, %dma_start3A_97] : memref<125x80xi32, #tpu.memory_space<vmem>> -> memref<1x80xi32, #tpu.memory_space<vmem>>
      %dma_start3A_99 = tpu.memref_squeeze %dma_start3A_98 : memref<1x80xi32, #tpu.memory_space<vmem>> -> memref<80xi32, #tpu.memory_space<vmem>>
      %dma_start3A_100 = arith.constant 0 : i32
      %dma_start3A_101 = tpu.memref_slice %arg7[%dma_start3A_100] : memref<10000xf32, #tpu.memory_space<vmem_shared>> -> memref<10000xf32, #tpu.memory_space<vmem_shared>>
      tpu.enqueue_indirect_dma source(%arg5 : memref<80xf32, #tpu.memory_space<vmem>>) target(%dma_start3A_101 : memref<10000xf32, #tpu.memory_space<vmem_shared>>) offsets(%dma_start3A_99 : memref<80xi32, #tpu.memory_space<vmem>>) semaphore(%arg8 : memref<!tpu.dma_semaphore, #tpu.memory_space<semaphore_mem>>) {add = true}
      %mul3A_102 = arith.constant 8 : i32
      %mul3A_103 = arith.muli %mul3A_102, %add3A_83 : i32
      %add3A_104 = arith.constant 2 : i32
      %add3A_105 = arith.addi %mul3A_103, %add3A_104 : i32
      %dma_start3A_106 = arith.constant 0 : i32
      %dma_start3A_107 = tpu.memref_slice %arg4[%add3A_105, %dma_start3A_106] : memref<125x80xi32, #tpu.memory_space<vmem>> -> memref<1x80xi32, #tpu.memory_space<vmem>>
      %dma_start3A_108 = tpu.memref_squeeze %dma_start3A_107 : memref<1x80xi32, #tpu.memory_space<vmem>> -> memref<80xi32, #tpu.memory_space<vmem>>
      %dma_start3A_109 = arith.constant 0 : i32
      %dma_start3A_110 = tpu.memref_slice %arg7[%dma_start3A_109] : memref<10000xf32, #tpu.memory_space<vmem_shared>> -> memref<10000xf32, #tpu.memory_space<vmem_shared>>
      tpu.enqueue_indirect_dma source(%arg5 : memref<80xf32, #tpu.memory_space<vmem>>) target(%dma_start3A_110 : memref<10000xf32, #tpu.memory_space<vmem_shared>>) offsets(%dma_start3A_108 : memref<80xi32, #tpu.memory_space<vmem>>) semaphore(%arg8 : memref<!tpu.dma_semaphore, #tpu.memory_space<semaphore_mem>>) {add = true}
      %mul3A_111 = arith.constant 8 : i32
      %mul3A_112 = arith.muli %mul3A_111, %add3A_83 : i32
      %add3A_113 = arith.constant 3 : i32
      %add3A_114 = arith.addi %mul3A_112, %add3A_113 : i32
      %dma_start3A_115 = arith.constant 0 : i32
      %dma_start3A_116 = tpu.memref_slice %arg4[%add3A_114, %dma_start3A_115] : memref<125x80xi32, #tpu.memory_space<vmem>> -> memref<1x80xi32, #tpu.memory_space<vmem>>
      %dma_start3A_117 = tpu.memref_squeeze %dma_start3A_116 : memref<1x80xi32, #tpu.memory_space<vmem>> -> memref<80xi32, #tpu.memory_space<vmem>>
      %dma_start3A_118 = arith.constant 0 : i32
      %dma_start3A_119 = tpu.memref_slice %arg7[%dma_start3A_118] : memref<10000xf32, #tpu.memory_space<vmem_shared>> -> memref<10000xf32, #tpu.memory_space<vmem_shared>>
      tpu.enqueue_indirect_dma source(%arg5 : memref<80xf32, #tpu.memory_space<vmem>>) target(%dma_start3A_119 : memref<10000xf32, #tpu.memory_space<vmem_shared>>) offsets(%dma_start3A_117 : memref<80xi32, #tpu.memory_space<vmem>>) semaphore(%arg8 : memref<!tpu.dma_semaphore, #tpu.memory_space<semaphore_mem>>) {add = true}
      %mul3A_120 = arith.constant 8 : i32
      %mul3A_121 = arith.muli %mul3A_120, %add3A_83 : i32
      %add3A_122 = arith.constant 4 : i32
      %add3A_123 = arith.addi %mul3A_121, %add3A_122 : i32
      %dma_start3A_124 = arith.constant 0 : i32
      %dma_start3A_125 = tpu.memref_slice %arg4[%add3A_123, %dma_start3A_124] : memref<125x80xi32, #tpu.memory_space<vmem>> -> memref<1x80xi32, #tpu.memory_space<vmem>>
      %dma_start3A_126 = tpu.memref_squeeze %dma_start3A_125 : memref<1x80xi32, #tpu.memory_space<vmem>> -> memref<80xi32, #tpu.memory_space<vmem>>
      %dma_start3A_127 = arith.constant 0 : i32
      %dma_start3A_128 = tpu.memref_slice %arg7[%dma_start3A_127] : memref<10000xf32, #tpu.memory_space<vmem_shared>> -> memref<10000xf32, #tpu.memory_space<vmem_shared>>
      tpu.enqueue_indirect_dma source(%arg5 : memref<80xf32, #tpu.memory_space<vmem>>) target(%dma_start3A_128 : memref<10000xf32, #tpu.memory_space<vmem_shared>>) offsets(%dma_start3A_126 : memref<80xi32, #tpu.memory_space<vmem>>) semaphore(%arg8 : memref<!tpu.dma_semaphore, #tpu.memory_space<semaphore_mem>>) {add = true}
      %mul3A_129 = arith.constant 8 : i32
      %mul3A_130 = arith.muli %mul3A_129, %add3A_83 : i32
      %add3A_131 = arith.constant 5 : i32
      %add3A_132 = arith.addi %mul3A_130, %add3A_131 : i32
      %dma_start3A_133 = arith.constant 0 : i32
      %dma_start3A_134 = tpu.memref_slice %arg4[%add3A_132, %dma_start3A_133] : memref<125x80xi32, #tpu.memory_space<vmem>> -> memref<1x80xi32, #tpu.memory_space<vmem>>
      %dma_start3A_135 = tpu.memref_squeeze %dma_start3A_134 : memref<1x80xi32, #tpu.memory_space<vmem>> -> memref<80xi32, #tpu.memory_space<vmem>>
      %dma_start3A_136 = arith.constant 0 : i32
      %dma_start3A_137 = tpu.memref_slice %arg7[%dma_start3A_136] : memref<10000xf32, #tpu.memory_space<vmem_shared>> -> memref<10000xf32, #tpu.memory_space<vmem_shared>>
      tpu.enqueue_indirect_dma source(%arg5 : memref<80xf32, #tpu.memory_space<vmem>>) target(%dma_start3A_137 : memref<10000xf32, #tpu.memory_space<vmem_shared>>) offsets(%dma_start3A_135 : memref<80xi32, #tpu.memory_space<vmem>>) semaphore(%arg8 : memref<!tpu.dma_semaphore, #tpu.memory_space<semaphore_mem>>) {add = true}
      %mul3A_138 = arith.constant 8 : i32
      %mul3A_139 = arith.muli %mul3A_138, %add3A_83 : i32
      %add3A_140 = arith.constant 6 : i32
      %add3A_141 = arith.addi %mul3A_139, %add3A_140 : i32
      %dma_start3A_142 = arith.constant 0 : i32
      %dma_start3A_143 = tpu.memref_slice %arg4[%add3A_141, %dma_start3A_142] : memref<125x80xi32, #tpu.memory_space<vmem>> -> memref<1x80xi32, #tpu.memory_space<vmem>>
      %dma_start3A_144 = tpu.memref_squeeze %dma_start3A_143 : memref<1x80xi32, #tpu.memory_space<vmem>> -> memref<80xi32, #tpu.memory_space<vmem>>
      %dma_start3A_145 = arith.constant 0 : i32
      %dma_start3A_146 = tpu.memref_slice %arg7[%dma_start3A_145] : memref<10000xf32, #tpu.memory_space<vmem_shared>> -> memref<10000xf32, #tpu.memory_space<vmem_shared>>
      tpu.enqueue_indirect_dma source(%arg5 : memref<80xf32, #tpu.memory_space<vmem>>) target(%dma_start3A_146 : memref<10000xf32, #tpu.memory_space<vmem_shared>>) offsets(%dma_start3A_144 : memref<80xi32, #tpu.memory_space<vmem>>) semaphore(%arg8 : memref<!tpu.dma_semaphore, #tpu.memory_space<semaphore_mem>>) {add = true}
      %mul3A_147 = arith.constant 8 : i32
      %mul3A_148 = arith.muli %mul3A_147, %add3A_83 : i32
      %add3A_149 = arith.constant 7 : i32
      %add3A_150 = arith.addi %mul3A_148, %add3A_149 : i32
      %dma_start3A_151 = arith.constant 0 : i32
      %dma_start3A_152 = tpu.memref_slice %arg4[%add3A_150, %dma_start3A_151] : memref<125x80xi32, #tpu.memory_space<vmem>> -> memref<1x80xi32, #tpu.memory_space<vmem>>
      %dma_start3A_153 = tpu.memref_squeeze %dma_start3A_152 : memref<1x80xi32, #tpu.memory_space<vmem>> -> memref<80xi32, #tpu.memory_space<vmem>>
      %dma_start3A_154 = arith.constant 0 : i32
      %dma_start3A_155 = tpu.memref_slice %arg7[%dma_start3A_154] : memref<10000xf32, #tpu.memory_space<vmem_shared>> -> memref<10000xf32, #tpu.memory_space<vmem_shared>>
      tpu.enqueue_indirect_dma source(%arg5 : memref<80xf32, #tpu.memory_space<vmem>>) target(%dma_start3A_155 : memref<10000xf32, #tpu.memory_space<vmem_shared>>) offsets(%dma_start3A_153 : memref<80xi32, #tpu.memory_space<vmem>>) semaphore(%arg8 : memref<!tpu.dma_semaphore, #tpu.memory_space<semaphore_mem>>) {add = true}
      %mul3A_156 = arith.constant 8 : i32
      %mul3A_157 = arith.muli %mul3A_156, %add3A_83 : i32
      %add3A_158 = arith.constant 0 : i32
      %add3A_159 = arith.addi %mul3A_157, %add3A_158 : i32
      %dma_wait3A_160 = arith.constant 0 : i32
      %dma_wait3A_161 = tpu.memref_slice %arg4[%add3A_159, %dma_wait3A_160] : memref<125x80xi32, #tpu.memory_space<vmem>> -> memref<1x80xi32, #tpu.memory_space<vmem>>
      %dma_wait3A_162 = tpu.memref_squeeze %dma_wait3A_161 : memref<1x80xi32, #tpu.memory_space<vmem>> -> memref<80xi32, #tpu.memory_space<vmem>>
      %dma_wait3A_163 = arith.constant 0 : i32
      %dma_wait3A_164 = tpu.memref_slice %arg7[%dma_wait3A_163] : memref<10000xf32, #tpu.memory_space<vmem_shared>> -> memref<10000xf32, #tpu.memory_space<vmem_shared>>
      tpu.wait_indirect_dma semaphore(%arg8 : memref<!tpu.dma_semaphore, #tpu.memory_space<semaphore_mem>>) src(%arg5 : memref<80xf32, #tpu.memory_space<vmem>>) dst(%dma_wait3A_164 : memref<10000xf32, #tpu.memory_space<vmem_shared>>)
      %mul3A_165 = arith.constant 8 : i32
      %mul3A_166 = arith.muli %mul3A_165, %add3A_83 : i32
      %add3A_167 = arith.constant 1 : i32
      %add3A_168 = arith.addi %mul3A_166, %add3A_167 : i32
      %dma_wait3A_169 = arith.constant 0 : i32
      %dma_wait3A_170 = tpu.memref_slice %arg4[%add3A_168, %dma_wait3A_169] : memref<125x80xi32, #tpu.memory_space<vmem>> -> memref<1x80xi32, #tpu.memory_space<vmem>>
      %dma_wait3A_171 = tpu.memref_squeeze %dma_wait3A_170 : memref<1x80xi32, #tpu.memory_space<vmem>> -> memref<80xi32, #tpu.memory_space<vmem>>
      %dma_wait3A_172 = arith.constant 0 : i32
      %dma_wait3A_173 = tpu.memref_slice %arg7[%dma_wait3A_172] : memref<10000xf32, #tpu.memory_space<vmem_shared>> -> memref<10000xf32, #tpu.memory_space<vmem_shared>>
      tpu.wait_indirect_dma semaphore(%arg8 : memref<!tpu.dma_semaphore, #tpu.memory_space<semaphore_mem>>) src(%arg5 : memref<80xf32, #tpu.memory_space<vmem>>) dst(%dma_wait3A_173 : memref<10000xf32, #tpu.memory_space<vmem_shared>>)
      %mul3A_174 = arith.constant 8 : i32
      %mul3A_175 = arith.muli %mul3A_174, %add3A_83 : i32
      %add3A_176 = arith.constant 2 : i32
      %add3A_177 = arith.addi %mul3A_175, %add3A_176 : i32
      %dma_wait3A_178 = arith.constant 0 : i32
      %dma_wait3A_179 = tpu.memref_slice %arg4[%add3A_177, %dma_wait3A_178] : memref<125x80xi32, #tpu.memory_space<vmem>> -> memref<1x80xi32, #tpu.memory_space<vmem>>
      %dma_wait3A_180 = tpu.memref_squeeze %dma_wait3A_179 : memref<1x80xi32, #tpu.memory_space<vmem>> -> memref<80xi32, #tpu.memory_space<vmem>>
      %dma_wait3A_181 = arith.constant 0 : i32
      %dma_wait3A_182 = tpu.memref_slice %arg7[%dma_wait3A_181] : memref<10000xf32, #tpu.memory_space<vmem_shared>> -> memref<10000xf32, #tpu.memory_space<vmem_shared>>
      tpu.wait_indirect_dma semaphore(%arg8 : memref<!tpu.dma_semaphore, #tpu.memory_space<semaphore_mem>>) src(%arg5 : memref<80xf32, #tpu.memory_space<vmem>>) dst(%dma_wait3A_182 : memref<10000xf32, #tpu.memory_space<vmem_shared>>)
      %mul3A_183 = arith.constant 8 : i32
      %mul3A_184 = arith.muli %mul3A_183, %add3A_83 : i32
      %add3A_185 = arith.constant 3 : i32
      %add3A_186 = arith.addi %mul3A_184, %add3A_185 : i32
      %dma_wait3A_187 = arith.constant 0 : i32
      %dma_wait3A_188 = tpu.memref_slice %arg4[%add3A_186, %dma_wait3A_187] : memref<125x80xi32, #tpu.memory_space<vmem>> -> memref<1x80xi32, #tpu.memory_space<vmem>>
      %dma_wait3A_189 = tpu.memref_squeeze %dma_wait3A_188 : memref<1x80xi32, #tpu.memory_space<vmem>> -> memref<80xi32, #tpu.memory_space<vmem>>
      %dma_wait3A_190 = arith.constant 0 : i32
      %dma_wait3A_191 = tpu.memref_slice %arg7[%dma_wait3A_190] : memref<10000xf32, #tpu.memory_space<vmem_shared>> -> memref<10000xf32, #tpu.memory_space<vmem_shared>>
      tpu.wait_indirect_dma semaphore(%arg8 : memref<!tpu.dma_semaphore, #tpu.memory_space<semaphore_mem>>) src(%arg5 : memref<80xf32, #tpu.memory_space<vmem>>) dst(%dma_wait3A_191 : memref<10000xf32, #tpu.memory_space<vmem_shared>>)
      %mul3A_192 = arith.constant 8 : i32
      %mul3A_193 = arith.muli %mul3A_192, %add3A_83 : i32
      %add3A_194 = arith.constant 4 : i32
      %add3A_195 = arith.addi %mul3A_193, %add3A_194 : i32
      %dma_wait3A_196 = arith.constant 0 : i32
      %dma_wait3A_197 = tpu.memref_slice %arg4[%add3A_195, %dma_wait3A_196] : memref<125x80xi32, #tpu.memory_space<vmem>> -> memref<1x80xi32, #tpu.memory_space<vmem>>
      %dma_wait3A_198 = tpu.memref_squeeze %dma_wait3A_197 : memref<1x80xi32, #tpu.memory_space<vmem>> -> memref<80xi32, #tpu.memory_space<vmem>>
      %dma_wait3A_199 = arith.constant 0 : i32
      %dma_wait3A_200 = tpu.memref_slice %arg7[%dma_wait3A_199] : memref<10000xf32, #tpu.memory_space<vmem_shared>> -> memref<10000xf32, #tpu.memory_space<vmem_shared>>
      tpu.wait_indirect_dma semaphore(%arg8 : memref<!tpu.dma_semaphore, #tpu.memory_space<semaphore_mem>>) src(%arg5 : memref<80xf32, #tpu.memory_space<vmem>>) dst(%dma_wait3A_200 : memref<10000xf32, #tpu.memory_space<vmem_shared>>)
      %mul3A_201 = arith.constant 8 : i32
      %mul3A_202 = arith.muli %mul3A_201, %add3A_83 : i32
      %add3A_203 = arith.constant 5 : i32
      %add3A_204 = arith.addi %mul3A_202, %add3A_203 : i32
      %dma_wait3A_205 = arith.constant 0 : i32
      %dma_wait3A_206 = tpu.memref_slice %arg4[%add3A_204, %dma_wait3A_205] : memref<125x80xi32, #tpu.memory_space<vmem>> -> memref<1x80xi32, #tpu.memory_space<vmem>>
      %dma_wait3A_207 = tpu.memref_squeeze %dma_wait3A_206 : memref<1x80xi32, #tpu.memory_space<vmem>> -> memref<80xi32, #tpu.memory_space<vmem>>
      %dma_wait3A_208 = arith.constant 0 : i32
      %dma_wait3A_209 = tpu.memref_slice %arg7[%dma_wait3A_208] : memref<10000xf32, #tpu.memory_space<vmem_shared>> -> memref<10000xf32, #tpu.memory_space<vmem_shared>>
      tpu.wait_indirect_dma semaphore(%arg8 : memref<!tpu.dma_semaphore, #tpu.memory_space<semaphore_mem>>) src(%arg5 : memref<80xf32, #tpu.memory_space<vmem>>) dst(%dma_wait3A_209 : memref<10000xf32, #tpu.memory_space<vmem_shared>>)
      %mul3A_210 = arith.constant 8 : i32
      %mul3A_211 = arith.muli %mul3A_210, %add3A_83 : i32
      %add3A_212 = arith.constant 6 : i32
      %add3A_213 = arith.addi %mul3A_211, %add3A_212 : i32
      %dma_wait3A_214 = arith.constant 0 : i32
      %dma_wait3A_215 = tpu.memref_slice %arg4[%add3A_213, %dma_wait3A_214] : memref<125x80xi32, #tpu.memory_space<vmem>> -> memref<1x80xi32, #tpu.memory_space<vmem>>
      %dma_wait3A_216 = tpu.memref_squeeze %dma_wait3A_215 : memref<1x80xi32, #tpu.memory_space<vmem>> -> memref<80xi32, #tpu.memory_space<vmem>>
      %dma_wait3A_217 = arith.constant 0 : i32
      %dma_wait3A_218 = tpu.memref_slice %arg7[%dma_wait3A_217] : memref<10000xf32, #tpu.memory_space<vmem_shared>> -> memref<10000xf32, #tpu.memory_space<vmem_shared>>
      tpu.wait_indirect_dma semaphore(%arg8 : memref<!tpu.dma_semaphore, #tpu.memory_space<semaphore_mem>>) src(%arg5 : memref<80xf32, #tpu.memory_space<vmem>>) dst(%dma_wait3A_218 : memref<10000xf32, #tpu.memory_space<vmem_shared>>)
      %mul3A_219 = arith.constant 8 : i32
      %mul3A_220 = arith.muli %mul3A_219, %add3A_83 : i32
      %add3A_221 = arith.constant 7 : i32
      %add3A_222 = arith.addi %mul3A_220, %add3A_221 : i32
      %dma_wait3A_223 = arith.constant 0 : i32
      %dma_wait3A_224 = tpu.memref_slice %arg4[%add3A_222, %dma_wait3A_223] : memref<125x80xi32, #tpu.memory_space<vmem>> -> memref<1x80xi32, #tpu.memory_space<vmem>>
      %dma_wait3A_225 = tpu.memref_squeeze %dma_wait3A_224 : memref<1x80xi32, #tpu.memory_space<vmem>> -> memref<80xi32, #tpu.memory_space<vmem>>
      %dma_wait3A_226 = arith.constant 0 : i32
      %dma_wait3A_227 = tpu.memref_slice %arg7[%dma_wait3A_226] : memref<10000xf32, #tpu.memory_space<vmem_shared>> -> memref<10000xf32, #tpu.memory_space<vmem_shared>>
      tpu.wait_indirect_dma semaphore(%arg8 : memref<!tpu.dma_semaphore, #tpu.memory_space<semaphore_mem>>) src(%arg5 : memref<80xf32, #tpu.memory_space<vmem>>) dst(%dma_wait3A_227 : memref<10000xf32, #tpu.memory_space<vmem_shared>>)
    }
    %scan3A_17 = arith.constant 15 : i32
    %dma_start3A = arith.constant 120 : i32
    %dma_start3A_18 = arith.constant 0 : i32
    %dma_start3A_19 = tpu.memref_slice %arg4[%dma_start3A, %dma_start3A_18] : memref<125x80xi32, #tpu.memory_space<vmem>> -> memref<1x80xi32, #tpu.memory_space<vmem>>
    %dma_start3A_20 = tpu.memref_squeeze %dma_start3A_19 : memref<1x80xi32, #tpu.memory_space<vmem>> -> memref<80xi32, #tpu.memory_space<vmem>>
    %dma_start3A_21 = arith.constant 0 : i32
    %dma_start3A_22 = tpu.memref_slice %arg7[%dma_start3A_21] : memref<10000xf32, #tpu.memory_space<vmem_shared>> -> memref<10000xf32, #tpu.memory_space<vmem_shared>>
    tpu.enqueue_indirect_dma source(%arg5 : memref<80xf32, #tpu.memory_space<vmem>>) target(%dma_start3A_22 : memref<10000xf32, #tpu.memory_space<vmem_shared>>) offsets(%dma_start3A_20 : memref<80xi32, #tpu.memory_space<vmem>>) semaphore(%arg8 : memref<!tpu.dma_semaphore, #tpu.memory_space<semaphore_mem>>) {add = true}
    %dma_start3A_23 = arith.constant 121 : i32
    %dma_start3A_24 = arith.constant 0 : i32
    %dma_start3A_25 = tpu.memref_slice %arg4[%dma_start3A_23, %dma_start3A_24] : memref<125x80xi32, #tpu.memory_space<vmem>> -> memref<1x80xi32, #tpu.memory_space<vmem>>
    %dma_start3A_26 = tpu.memref_squeeze %dma_start3A_25 : memref<1x80xi32, #tpu.memory_space<vmem>> -> memref<80xi32, #tpu.memory_space<vmem>>
    %dma_start3A_27 = arith.constant 0 : i32
    %dma_start3A_28 = tpu.memref_slice %arg7[%dma_start3A_27] : memref<10000xf32, #tpu.memory_space<vmem_shared>> -> memref<10000xf32, #tpu.memory_space<vmem_shared>>
    tpu.enqueue_indirect_dma source(%arg5 : memref<80xf32, #tpu.memory_space<vmem>>) target(%dma_start3A_28 : memref<10000xf32, #tpu.memory_space<vmem_shared>>) offsets(%dma_start3A_26 : memref<80xi32, #tpu.memory_space<vmem>>) semaphore(%arg8 : memref<!tpu.dma_semaphore, #tpu.memory_space<semaphore_mem>>) {add = true}
    %dma_start3A_29 = arith.constant 122 : i32
    %dma_start3A_30 = arith.constant 0 : i32
    %dma_start3A_31 = tpu.memref_slice %arg4[%dma_start3A_29, %dma_start3A_30] : memref<125x80xi32, #tpu.memory_space<vmem>> -> memref<1x80xi32, #tpu.memory_space<vmem>>
    %dma_start3A_32 = tpu.memref_squeeze %dma_start3A_31 : memref<1x80xi32, #tpu.memory_space<vmem>> -> memref<80xi32, #tpu.memory_space<vmem>>
    %dma_start3A_33 = arith.constant 0 : i32
    %dma_start3A_34 = tpu.memref_slice %arg7[%dma_start3A_33] : memref<10000xf32, #tpu.memory_space<vmem_shared>> -> memref<10000xf32, #tpu.memory_space<vmem_shared>>
    tpu.enqueue_indirect_dma source(%arg5 : memref<80xf32, #tpu.memory_space<vmem>>) target(%dma_start3A_34 : memref<10000xf32, #tpu.memory_space<vmem_shared>>) offsets(%dma_start3A_32 : memref<80xi32, #tpu.memory_space<vmem>>) semaphore(%arg8 : memref<!tpu.dma_semaphore, #tpu.memory_space<semaphore_mem>>) {add = true}
    %dma_start3A_35 = arith.constant 123 : i32
    %dma_start3A_36 = arith.constant 0 : i32
    %dma_start3A_37 = tpu.memref_slice %arg4[%dma_start3A_35, %dma_start3A_36] : memref<125x80xi32, #tpu.memory_space<vmem>> -> memref<1x80xi32, #tpu.memory_space<vmem>>
    %dma_start3A_38 = tpu.memref_squeeze %dma_start3A_37 : memref<1x80xi32, #tpu.memory_space<vmem>> -> memref<80xi32, #tpu.memory_space<vmem>>
    %dma_start3A_39 = arith.constant 0 : i32
    %dma_start3A_40 = tpu.memref_slice %arg7[%dma_start3A_39] : memref<10000xf32, #tpu.memory_space<vmem_shared>> -> memref<10000xf32, #tpu.memory_space<vmem_shared>>
    tpu.enqueue_indirect_dma source(%arg5 : memref<80xf32, #tpu.memory_space<vmem>>) target(%dma_start3A_40 : memref<10000xf32, #tpu.memory_space<vmem_shared>>) offsets(%dma_start3A_38 : memref<80xi32, #tpu.memory_space<vmem>>) semaphore(%arg8 : memref<!tpu.dma_semaphore, #tpu.memory_space<semaphore_mem>>) {add = true}
    %dma_start3A_41 = arith.constant 124 : i32
    %dma_start3A_42 = arith.constant 0 : i32
    %dma_start3A_43 = tpu.memref_slice %arg4[%dma_start3A_41, %dma_start3A_42] : memref<125x80xi32, #tpu.memory_space<vmem>> -> memref<1x80xi32, #tpu.memory_space<vmem>>
    %dma_start3A_44 = tpu.memref_squeeze %dma_start3A_43 : memref<1x80xi32, #tpu.memory_space<vmem>> -> memref<80xi32, #tpu.memory_space<vmem>>
    %dma_start3A_45 = arith.constant 0 : i32
    %dma_start3A_46 = tpu.memref_slice %arg7[%dma_start3A_45] : memref<10000xf32, #tpu.memory_space<vmem_shared>> -> memref<10000xf32, #tpu.memory_space<vmem_shared>>
    tpu.enqueue_indirect_dma source(%arg5 : memref<80xf32, #tpu.memory_space<vmem>>) target(%dma_start3A_46 : memref<10000xf32, #tpu.memory_space<vmem_shared>>) offsets(%dma_start3A_44 : memref<80xi32, #tpu.memory_space<vmem>>) semaphore(%arg8 : memref<!tpu.dma_semaphore, #tpu.memory_space<semaphore_mem>>) {add = true}
    %dma_wait3A = arith.constant 120 : i32
    %dma_wait3A_47 = arith.constant 0 : i32
    %dma_wait3A_48 = tpu.memref_slice %arg4[%dma_wait3A, %dma_wait3A_47] : memref<125x80xi32, #tpu.memory_space<vmem>> -> memref<1x80xi32, #tpu.memory_space<vmem>>
    %dma_wait3A_49 = tpu.memref_squeeze %dma_wait3A_48 : memref<1x80xi32, #tpu.memory_space<vmem>> -> memref<80xi32, #tpu.memory_space<vmem>>
    %dma_wait3A_50 = arith.constant 0 : i32
    %dma_wait3A_51 = tpu.memref_slice %arg7[%dma_wait3A_50] : memref<10000xf32, #tpu.memory_space<vmem_shared>> -> memref<10000xf32, #tpu.memory_space<vmem_shared>>
    tpu.wait_indirect_dma semaphore(%arg8 : memref<!tpu.dma_semaphore, #tpu.memory_space<semaphore_mem>>) src(%arg5 : memref<80xf32, #tpu.memory_space<vmem>>) dst(%dma_wait3A_51 : memref<10000xf32, #tpu.memory_space<vmem_shared>>)
    %dma_wait3A_52 = arith.constant 121 : i32
    %dma_wait3A_53 = arith.constant 0 : i32
    %dma_wait3A_54 = tpu.memref_slice %arg4[%dma_wait3A_52, %dma_wait3A_53] : memref<125x80xi32, #tpu.memory_space<vmem>> -> memref<1x80xi32, #tpu.memory_space<vmem>>
    %dma_wait3A_55 = tpu.memref_squeeze %dma_wait3A_54 : memref<1x80xi32, #tpu.memory_space<vmem>> -> memref<80xi32, #tpu.memory_space<vmem>>
    %dma_wait3A_56 = arith.constant 0 : i32
    %dma_wait3A_57 = tpu.memref_slice %arg7[%dma_wait3A_56] : memref<10000xf32, #tpu.memory_space<vmem_shared>> -> memref<10000xf32, #tpu.memory_space<vmem_shared>>
    tpu.wait_indirect_dma semaphore(%arg8 : memref<!tpu.dma_semaphore, #tpu.memory_space<semaphore_mem>>) src(%arg5 : memref<80xf32, #tpu.memory_space<vmem>>) dst(%dma_wait3A_57 : memref<10000xf32, #tpu.memory_space<vmem_shared>>)
    %dma_wait3A_58 = arith.constant 122 : i32
    %dma_wait3A_59 = arith.constant 0 : i32
    %dma_wait3A_60 = tpu.memref_slice %arg4[%dma_wait3A_58, %dma_wait3A_59] : memref<125x80xi32, #tpu.memory_space<vmem>> -> memref<1x80xi32, #tpu.memory_space<vmem>>
    %dma_wait3A_61 = tpu.memref_squeeze %dma_wait3A_60 : memref<1x80xi32, #tpu.memory_space<vmem>> -> memref<80xi32, #tpu.memory_space<vmem>>
    %dma_wait3A_62 = arith.constant 0 : i32
    %dma_wait3A_63 = tpu.memref_slice %arg7[%dma_wait3A_62] : memref<10000xf32, #tpu.memory_space<vmem_shared>> -> memref<10000xf32, #tpu.memory_space<vmem_shared>>
    tpu.wait_indirect_dma semaphore(%arg8 : memref<!tpu.dma_semaphore, #tpu.memory_space<semaphore_mem>>) src(%arg5 : memref<80xf32, #tpu.memory_space<vmem>>) dst(%dma_wait3A_63 : memref<10000xf32, #tpu.memory_space<vmem_shared>>)
    %dma_wait3A_64 = arith.constant 123 : i32
    %dma_wait3A_65 = arith.constant 0 : i32
    %dma_wait3A_66 = tpu.memref_slice %arg4[%dma_wait3A_64, %dma_wait3A_65] : memref<125x80xi32, #tpu.memory_space<vmem>> -> memref<1x80xi32, #tpu.memory_space<vmem>>
    %dma_wait3A_67 = tpu.memref_squeeze %dma_wait3A_66 : memref<1x80xi32, #tpu.memory_space<vmem>> -> memref<80xi32, #tpu.memory_space<vmem>>
    %dma_wait3A_68 = arith.constant 0 : i32
    %dma_wait3A_69 = tpu.memref_slice %arg7[%dma_wait3A_68] : memref<10000xf32, #tpu.memory_space<vmem_shared>> -> memref<10000xf32, #tpu.memory_space<vmem_shared>>
    tpu.wait_indirect_dma semaphore(%arg8 : memref<!tpu.dma_semaphore, #tpu.memory_space<semaphore_mem>>) src(%arg5 : memref<80xf32, #tpu.memory_space<vmem>>) dst(%dma_wait3A_69 : memref<10000xf32, #tpu.memory_space<vmem_shared>>)
    %dma_wait3A_70 = arith.constant 124 : i32
    %dma_wait3A_71 = arith.constant 0 : i32
    %dma_wait3A_72 = tpu.memref_slice %arg4[%dma_wait3A_70, %dma_wait3A_71] : memref<125x80xi32, #tpu.memory_space<vmem>> -> memref<1x80xi32, #tpu.memory_space<vmem>>
    %dma_wait3A_73 = tpu.memref_squeeze %dma_wait3A_72 : memref<1x80xi32, #tpu.memory_space<vmem>> -> memref<80xi32, #tpu.memory_space<vmem>>
    %dma_wait3A_74 = arith.constant 0 : i32
    %dma_wait3A_75 = tpu.memref_slice %arg7[%dma_wait3A_74] : memref<10000xf32, #tpu.memory_space<vmem_shared>> -> memref<10000xf32, #tpu.memory_space<vmem_shared>>
    tpu.wait_indirect_dma semaphore(%arg8 : memref<!tpu.dma_semaphore, #tpu.memory_space<semaphore_mem>>) src(%arg5 : memref<80xf32, #tpu.memory_space<vmem>>) dst(%dma_wait3A_75 : memref<10000xf32, #tpu.memory_space<vmem_shared>>)
    %barrier3A_76 = arith.constant 0 : index
    tpu.barrier barrier_id(%barrier3A_76)
    "tpu.region"() ({
      %run_scoped3A = tpu.sem_alloc : memref<!tpu.dma_semaphore, #tpu.memory_space<semaphore_mem>>
      tpu.enqueue_dma source(%arg7 : memref<10000xf32, #tpu.memory_space<vmem_shared>>) target(%arg6 : memref<10000xf32, #tpu.memory_space<vmem>>) target_semaphore(%run_scoped3A : memref<!tpu.dma_semaphore, #tpu.memory_space<semaphore_mem>>)
      tpu.wait_dma2 semaphore(%run_scoped3A : memref<!tpu.dma_semaphore, #tpu.memory_space<semaphore_mem>>) src(%arg7 : memref<10000xf32, #tpu.memory_space<vmem_shared>>) dst(%arg6 : memref<10000xf32, #tpu.memory_space<vmem>>)
      tpu.yield
    }) : () -> ()
    %mul3A_77 = arith.constant 10000 : i32
    %mul3A_78 = arith.muli %arg0, %mul3A_77 : i32
    "tpu.region"() ({
      %run_scoped3A = tpu.sem_alloc : memref<!tpu.dma_semaphore, #tpu.memory_space<semaphore_mem>>
      %dma_start3A_79 = tpu.memref_slice %arg3[%mul3A_78] : memref<20000xf32, #tpu.memory_space<hbm>> -> memref<10000xf32, #tpu.memory_space<hbm>>
      %dma_start3A_80 = tpu.memref_slice %arg3[%mul3A_78] : memref<20000xf32, #tpu.memory_space<hbm>> -> memref<10000xf32, #tpu.memory_space<hbm>>
      tpu.enqueue_dma source(%arg6 : memref<10000xf32, #tpu.memory_space<vmem>>) target(%dma_start3A_80 : memref<10000xf32, #tpu.memory_space<hbm>>) target_semaphore(%run_scoped3A : memref<!tpu.dma_semaphore, #tpu.memory_space<semaphore_mem>>)
      %dma_wait3A_81 = tpu.memref_slice %arg3[%mul3A_78] : memref<20000xf32, #tpu.memory_space<hbm>> -> memref<10000xf32, #tpu.memory_space<hbm>>
      %dma_wait3A_82 = tpu.memref_slice %arg3[%mul3A_78] : memref<20000xf32, #tpu.memory_space<hbm>> -> memref<10000xf32, #tpu.memory_space<hbm>>
      tpu.wait_dma2 semaphore(%run_scoped3A : memref<!tpu.dma_semaphore, #tpu.memory_space<semaphore_mem>>) src(%arg6 : memref<10000xf32, #tpu.memory_space<vmem>>) dst(%dma_wait3A_82 : memref<10000xf32, #tpu.memory_space<hbm>>)
      tpu.yield
    }) : () -> ()
    return
  }
}

module attributes {stable_mosaic.version = 14 : i64} {
  func.func @body(%arg0: i32, %arg1: memref<2000x128xf32, #tpu.memory_space<vmem>>, %arg2: memref<128x128xf32, #tpu.memory_space<vmem>>, %arg3: memref<1x128xf32, #tpu.memory_space<vmem>>, %arg4: memref<2x2000x16xf32, #tpu.memory_space<vmem>>, %arg5: memref<2000x128xf32, #tpu.memory_space<vmem>>, %arg6: memref<2000x128xf32, #tpu.memory_space<vmem>>) attributes {dimension_semantics = [#tpu.dimension_semantics<arbitrary>], iteration_bounds = array<i64: 5>, scalar_prefetch = 0 : i64, scratch_operands = 0 : i64, tpu.core_type = #tpu.core_type<tc>, window_params = [{transform_indices = @transform_0, window_bounds = array<i64: 2000, 128>}, {pipeline_mode = #tpu.pipeline_mode<synchronous>, transform_indices = @transform_1, window_bounds = array<i64: 128, 128>}, {pipeline_mode = #tpu.pipeline_mode<synchronous>, transform_indices = @transform_2, window_bounds = array<i64: 1, 128>}, {transform_indices = @transform_3, window_bounds = array<i64: 2, 2000, 16>}, {transform_indices = @transform_4, window_bounds = array<i64: 2000, 128>}, {transform_indices = @transform_5, window_bounds = array<i64: 2000, 128>}]} {
    %get3A = arith.constant 0 : index
    %get3A_0 = arith.constant 0 : index
    %get3A_1 = vector.load %arg1[%get3A, %get3A_0] : memref<2000x128xf32, #tpu.memory_space<vmem>>, vector<2000x128xf32>
    %get3A_2 = arith.constant 0 : index
    %get3A_3 = arith.constant 0 : index
    %get3A_4 = vector.load %arg2[%get3A_2, %get3A_3] : memref<128x128xf32, #tpu.memory_space<vmem>>, vector<128x128xf32>
    %dot_general3A = arith.constant dense<0.000000e+00> : vector<2000x128xf32>
    %dot_general3A_5 = tpu.matmul %get3A_1, %get3A_4, %dot_general3A {dimension_numbers = #tpu.dot_dimension_numbers<[1], [0], [0], [1], [0, 0, 1, 1], [], []>, transpose_lhs_hint = false} : vector<2000x128xf32>, vector<128x128xf32>, vector<2000x128xf32> -> vector<2000x128xf32>
    %get3A_6 = arith.constant 0 : index
    %get3A_7 = arith.constant 0 : index
    %get3A_8 = vector.load %arg3[%get3A_6, %get3A_7] : memref<1x128xf32, #tpu.memory_space<vmem>>, vector<1x128xf32>
    %add3A = vector.broadcast %get3A_8 : vector<1x128xf32> to vector<2000x128xf32>
    %add3A_9 = arith.addf %dot_general3A_5, %add3A : vector<2000x128xf32>
    %swap3A = arith.constant 0 : index
    %swap3A_10 = arith.constant 0 : index
    %swap3A_11 = vector.load %arg5[%swap3A, %swap3A_10] : memref<2000x128xf32, #tpu.memory_space<vmem>>, vector<2000x128xf32>
    tpu.vector_store %arg5[%swap3A, %swap3A_10], %add3A_9 {strides = array<i32>} : memref<2000x128xf32, #tpu.memory_space<vmem>>, vector<2000x128xf32>,
    %get3A_12 = arith.constant 0 : index
    %get3A_13 = arith.constant 0 : index
    %get3A_14 = arith.constant 0 : index
    %get3A_15 = vector.load %arg4[%get3A_12, %get3A_13, %get3A_14] : memref<2x2000x16xf32, #tpu.memory_space<vmem>>, vector<1x2000x1xf32>
    %get3A_16 = vector.shape_cast %get3A_15 : vector<1x2000x1xf32> to vector<2000x1xf32>
    %get3A_17 = arith.constant 1 : index
    %get3A_18 = arith.constant 0 : index
    %get3A_19 = arith.constant 0 : index
    %get3A_20 = vector.load %arg4[%get3A_17, %get3A_18, %get3A_19] : memref<2x2000x16xf32, #tpu.memory_space<vmem>>, vector<1x2000x1xf32>
    %get3A_21 = vector.shape_cast %get3A_20 : vector<1x2000x1xf32> to vector<2000x1xf32>
    %add3A_22 = arith.addf %get3A_16, %get3A_21 : vector<2000x1xf32>
    %gt3A = arith.constant 0.000000e+00 : f32
    %gt3A_23 = vector.broadcast %gt3A : f32 to vector<2000x1xf32>
    %gt3A_24 = arith.cmpf ogt, %add3A_22, %gt3A_23 : vector<2000x1xf32>
    %rsqrt3A = math.rsqrt %add3A_22 : vector<2000x1xf32>
    %jit3A = arith.constant 0.000000e+00 : f32
    %broadcast_in_dim3A = vector.broadcast %jit3A : f32 to vector<2000x1xf32>
    %select_n3A = arith.select %gt3A_24, %rsqrt3A, %broadcast_in_dim3A : vector<2000x1xi1>, vector<2000x1xf32>
    %mul3A = vector.broadcast %select_n3A : vector<2000x1xf32> to vector<2000x128xf32>
    %mul3A_25 = arith.mulf %add3A_9, %mul3A : vector<2000x128xf32>
    %swap3A_26 = arith.constant 0 : index
    %swap3A_27 = arith.constant 0 : index
    %swap3A_28 = vector.load %arg6[%swap3A_26, %swap3A_27] : memref<2000x128xf32, #tpu.memory_space<vmem>>, vector<2000x128xf32>
    tpu.vector_store %arg6[%swap3A_26, %swap3A_27], %mul3A_25 {strides = array<i32>} : memref<2000x128xf32, #tpu.memory_space<vmem>>, vector<2000x128xf32>,
    return
  }
  func.func @transform_0(%arg0: i32) -> (i32, i32) {
    %c0_i32 = arith.constant 0 : i32
    %c0_i32_0 = arith.constant 0 : i32
    return %arg0, %c0_i32 : i32, i32
  }
  func.func @transform_1(%arg0: i32) -> (i32, i32) {
    %c0_i32 = arith.constant 0 : i32
    %c0_i32_0 = arith.constant 0 : i32
    %c0_i32_1 = arith.constant 0 : i32
    return %c0_i32, %c0_i32_0 : i32, i32
  }
  func.func @transform_2(%arg0: i32) -> (i32, i32) {
    %c0_i32 = arith.constant 0 : i32
    %c0_i32_0 = arith.constant 0 : i32
    %c0_i32_1 = arith.constant 0 : i32
    return %c0_i32, %c0_i32_0 : i32, i32
  }
  func.func @transform_3(%arg0: i32) -> (i32, i32, i32) {
    %c0_i32 = arith.constant 0 : i32
    %c0_i32_0 = arith.constant 0 : i32
    %c0_i32_1 = arith.constant 0 : i32
    return %c0_i32, %arg0, %c0_i32_0 : i32, i32, i32
  }
  func.func @transform_4(%arg0: i32) -> (i32, i32) {
    %c0_i32 = arith.constant 0 : i32
    %c0_i32_0 = arith.constant 0 : i32
    return %arg0, %c0_i32 : i32, i32
  }
  func.func @transform_5(%arg0: i32) -> (i32, i32) {
    %c0_i32 = arith.constant 0 : i32
    %c0_i32_0 = arith.constant 0 : i32
    return %arg0, %c0_i32 : i32, i32
  }
}

module attributes {stable_mosaic.version = 14 : i64} {
  func.func @body(%arg0: i32, %arg1: memref<2x2000x128xf32, #tpu.memory_space<vmem>>, %arg2: memref<2x2000x16xf32, #tpu.memory_space<vmem>>, %arg3: memref<2000x128xf32, #tpu.memory_space<vmem>>, %arg4: memref<128x128xf32, #tpu.memory_space<vmem>>, %arg5: memref<1x128xf32, #tpu.memory_space<vmem>>, %arg6: memref<2000x128xf32, #tpu.memory_space<vmem>>) attributes {dimension_semantics = [#tpu.dimension_semantics<arbitrary>], iteration_bounds = array<i64: 5>, scalar_prefetch = 0 : i64, scratch_operands = 0 : i64, tpu.core_type = #tpu.core_type<tc>, window_params = [{transform_indices = @transform_0, window_bounds = array<i64: 2, 2000, 128>}, {transform_indices = @transform_1, window_bounds = array<i64: 2, 2000, 16>}, {transform_indices = @transform_2, window_bounds = array<i64: 2000, 128>}, {pipeline_mode = #tpu.pipeline_mode<synchronous>, transform_indices = @transform_3, window_bounds = array<i64: 128, 128>}, {pipeline_mode = #tpu.pipeline_mode<synchronous>, transform_indices = @transform_4, window_bounds = array<i64: 1, 128>}, {transform_indices = @transform_5, window_bounds = array<i64: 2000, 128>}]} {
    %get3A = arith.constant 0 : index
    %get3A_0 = arith.constant 0 : index
    %get3A_1 = arith.constant 0 : index
    %get3A_2 = vector.load %arg1[%get3A, %get3A_0, %get3A_1] : memref<2x2000x128xf32, #tpu.memory_space<vmem>>, vector<1x2000x128xf32>
    %get3A_3 = vector.shape_cast %get3A_2 : vector<1x2000x128xf32> to vector<2000x128xf32>
    %get3A_4 = arith.constant 1 : index
    %get3A_5 = arith.constant 0 : index
    %get3A_6 = arith.constant 0 : index
    %get3A_7 = vector.load %arg1[%get3A_4, %get3A_5, %get3A_6] : memref<2x2000x128xf32, #tpu.memory_space<vmem>>, vector<1x2000x128xf32>
    %get3A_8 = vector.shape_cast %get3A_7 : vector<1x2000x128xf32> to vector<2000x128xf32>
    %add3A = arith.addf %get3A_3, %get3A_8 : vector<2000x128xf32>
    %get3A_9 = arith.constant 0 : index
    %get3A_10 = arith.constant 0 : index
    %get3A_11 = arith.constant 0 : index
    %get3A_12 = vector.load %arg2[%get3A_9, %get3A_10, %get3A_11] : memref<2x2000x16xf32, #tpu.memory_space<vmem>>, vector<1x2000x1xf32>
    %get3A_13 = vector.shape_cast %get3A_12 : vector<1x2000x1xf32> to vector<2000x1xf32>
    %get3A_14 = arith.constant 1 : index
    %get3A_15 = arith.constant 0 : index
    %get3A_16 = arith.constant 0 : index
    %get3A_17 = vector.load %arg2[%get3A_14, %get3A_15, %get3A_16] : memref<2x2000x16xf32, #tpu.memory_space<vmem>>, vector<1x2000x1xf32>
    %get3A_18 = vector.shape_cast %get3A_17 : vector<1x2000x1xf32> to vector<2000x1xf32>
    %add3A_19 = arith.addf %get3A_13, %get3A_18 : vector<2000x1xf32>
    %gt3A = arith.constant 0.000000e+00 : f32
    %gt3A_20 = vector.broadcast %gt3A : f32 to vector<2000x1xf32>
    %gt3A_21 = arith.cmpf ogt, %add3A_19, %gt3A_20 : vector<2000x1xf32>
    %rsqrt3A = math.rsqrt %add3A_19 : vector<2000x1xf32>
    %jit3A = arith.constant 0.000000e+00 : f32
    %broadcast_in_dim3A = vector.broadcast %jit3A : f32 to vector<2000x1xf32>
    %select_n3A = arith.select %gt3A_21, %rsqrt3A, %broadcast_in_dim3A : vector<2000x1xi1>, vector<2000x1xf32>
    %mul3A = vector.broadcast %select_n3A : vector<2000x1xf32> to vector<2000x128xf32>
    %mul3A_22 = arith.mulf %mul3A, %add3A : vector<2000x128xf32>
    %mul3A_23 = arith.constant 5.000000e-01 : f32
    %mul3A_24 = vector.broadcast %mul3A_23 : f32 to vector<2000x128xf32>
    %mul3A_25 = arith.mulf %mul3A_24, %mul3A_22 : vector<2000x128xf32>
    %get3A_26 = arith.constant 0 : index
    %get3A_27 = arith.constant 0 : index
    %get3A_28 = vector.load %arg3[%get3A_26, %get3A_27] : memref<2000x128xf32, #tpu.memory_space<vmem>>, vector<2000x128xf32>
    %mul3A_29 = arith.constant 5.000000e-01 : f32
    %mul3A_30 = vector.broadcast %mul3A_29 : f32 to vector<2000x128xf32>
    %mul3A_31 = arith.mulf %mul3A_30, %get3A_28 : vector<2000x128xf32>
    %add3A_32 = arith.addf %mul3A_25, %mul3A_31 : vector<2000x128xf32>
    %mul3A_33 = arith.mulf %add3A_32, %add3A_32 : vector<2000x128xf32>
    %reduce_sum3A = arith.constant dense<0.000000e+00> : vector<2000xf32>
    %reduce_sum3A_34 = vector.multi_reduction <add>, %mul3A_33, %reduce_sum3A [1] : vector<2000x128xf32> to vector<2000xf32>
    %broadcast_in_dim3A_35 = vector.shape_cast %reduce_sum3A_34 : vector<2000xf32> to vector<2000x1xf32>
    %sqrt3A = math.sqrt %broadcast_in_dim3A_35 : vector<2000x1xf32>
    %max3A = arith.constant 9.99999996E-13 : f32
    %max3A_36 = vector.broadcast %max3A : f32 to vector<2000x1xf32>
    %max3A_37 = arith.maximumf %sqrt3A, %max3A_36 : vector<2000x1xf32>
    %div3A = vector.broadcast %max3A_37 : vector<2000x1xf32> to vector<2000x128xf32>
    %div3A_38 = arith.divf %add3A_32, %div3A : vector<2000x128xf32>
    %max3A_39 = arith.constant 0.000000e+00 : f32
    %max3A_40 = vector.broadcast %max3A_39 : f32 to vector<2000x128xf32>
    %max3A_41 = arith.maximumf %div3A_38, %max3A_40 : vector<2000x128xf32>
    %get3A_42 = arith.constant 0 : index
    %get3A_43 = arith.constant 0 : index
    %get3A_44 = vector.load %arg4[%get3A_42, %get3A_43] : memref<128x128xf32, #tpu.memory_space<vmem>>, vector<128x128xf32>
    %dot_general3A = arith.constant dense<0.000000e+00> : vector<2000x128xf32>
    %dot_general3A_45 = tpu.matmul %max3A_41, %get3A_44, %dot_general3A {dimension_numbers = #tpu.dot_dimension_numbers<[1], [0], [0], [1], [0, 0, 1, 1], [], []>, transpose_lhs_hint = false} : vector<2000x128xf32>, vector<128x128xf32>, vector<2000x128xf32> -> vector<2000x128xf32>
    %get3A_46 = arith.constant 0 : index
    %get3A_47 = arith.constant 0 : index
    %get3A_48 = vector.load %arg5[%get3A_46, %get3A_47] : memref<1x128xf32, #tpu.memory_space<vmem>>, vector<1x128xf32>
    %add3A_49 = vector.broadcast %get3A_48 : vector<1x128xf32> to vector<2000x128xf32>
    %add3A_50 = arith.addf %dot_general3A_45, %add3A_49 : vector<2000x128xf32>
    %swap3A = arith.constant 0 : index
    %swap3A_51 = arith.constant 0 : index
    %swap3A_52 = vector.load %arg6[%swap3A, %swap3A_51] : memref<2000x128xf32, #tpu.memory_space<vmem>>, vector<2000x128xf32>
    tpu.vector_store %arg6[%swap3A, %swap3A_51], %add3A_50 {strides = array<i32>} : memref<2000x128xf32, #tpu.memory_space<vmem>>, vector<2000x128xf32>,
    return
  }
  func.func @transform_0(%arg0: i32) -> (i32, i32, i32) {
    %c0_i32 = arith.constant 0 : i32
    %c0_i32_0 = arith.constant 0 : i32
    %c0_i32_1 = arith.constant 0 : i32
    return %c0_i32, %arg0, %c0_i32_0 : i32, i32, i32
  }
  func.func @transform_1(%arg0: i32) -> (i32, i32, i32) {
    %c0_i32 = arith.constant 0 : i32
    %c0_i32_0 = arith.constant 0 : i32
    %c0_i32_1 = arith.constant 0 : i32
    return %c0_i32, %arg0, %c0_i32_0 : i32, i32, i32
  }
  func.func @transform_2(%arg0: i32) -> (i32, i32) {
    %c0_i32 = arith.constant 0 : i32
    %c0_i32_0 = arith.constant 0 : i32
    return %arg0, %c0_i32 : i32, i32
  }
  func.func @transform_3(%arg0: i32) -> (i32, i32) {
    %c0_i32 = arith.constant 0 : i32
    %c0_i32_0 = arith.constant 0 : i32
    %c0_i32_1 = arith.constant 0 : i32
    return %c0_i32, %c0_i32_0 : i32, i32
  }
  func.func @transform_4(%arg0: i32) -> (i32, i32) {
    %c0_i32 = arith.constant 0 : i32
    %c0_i32_0 = arith.constant 0 : i32
    %c0_i32_1 = arith.constant 0 : i32
    return %c0_i32, %c0_i32_0 : i32, i32
  }
  func.func @transform_5(%arg0: i32) -> (i32, i32) {
    %c0_i32 = arith.constant 0 : i32
    %c0_i32_0 = arith.constant 0 : i32
    return %arg0, %c0_i32 : i32, i32
  }
}

</mosaic_0001>

<sc_bundles>
// kernel: kernel.6.cloned.1.call-start
scs
__scs_entry_jumppad:
0x0: {  	(pc) =	sbr.rel $0x88, $3  }
0x1: {  	(tag) =	ssettag $0x0;
	lr =	simm.s32 $0x1  }
0x2: {  	[smem:$0x3F9B] =	sst lr;
	_ =	strace $0xD0000000  }
0x3: {  	_ = 	snop  }
0x4: {  	_ = 	snop  }
0x5: {  	_ = 	snop  }
0x6: {  	_ = 	snop  }
0x7: {  	_ = 	snop  }
__scs_overlays_trampoline_lowered:
0x8: {  	[smem:$0x3FAA] =	sst s0  }
0x9: {  	[smem:$0x3FAB] =	sst s1  }
0xa: {  	[smem:$0x3FAC] =	sst s2  }
0xb: {  	[smem:$0x3FAD] =	sst s3  }
0xc: {  	[smem:$0x3FAE] =	sst s4  }
0xd: {  	[smem:$0x3FAF] =	sst s5  }
0xe: {  	[smem:$0x3FB0] =	sst s6  }
0xf: {  	[smem:$0x3FB1] =	sst s7  }
0x10: {  	[smem:$0x3FB2] =	sst s8  }
0x11: {  	[smem:$0x3FB3] =	sst s9;
	s0 =	simm.s32 @!p0 $0x0  }
0x12: {  	s1 =	sld [smem:$0x3F99];
	s0 =	simm.s32 @p0 $0x1  }
0x13: {  	[smem:$0x3FB4] =	sst s0;
	s0 =	simm.s32 @!p1 $0x0  }
0x14: {  	s2 =	sld [smem:$0x3F98];
	s0 =	simm.s32 @p1 $0x1  }
0x15: {  	[smem:$0x3FB5] =	sst s0;
	s0 =	simm.s32 @!p2 $0x0  }
0x16: {  	s3 =	sld [smem:$0x3FDB];
	s0 =	simm.s32 @p2 $0x1  }
0x17: {  	s4 =	simm.s32 $0x1BF5;
	[smem:$0x3FB7] =	sst s0  }
0x18: {  	s0 =	sld [smem:$0x3F9A];
	_ =	swait.ge [sflag:s4], $0x0  }
0x19: {  	s7 =	sld [smem:$0x3F9B]  }
0x1a: {  	s8 =	sadd.s32 $0xFFFFE003, lr  }
0x1b: {  	s9 =	sadd.s32 $0xFFFFFEF7, lr;
	s5 =	simm.s32 $0xFFFFFFFF;
	p2 =	slt.u32 s8, $0xFFFFF086  }
0x1c: {  	p1 =	slt.u32 s9, $0xF7A;
	s5 =	simm.s32 @!p2 $0x0  }
0x1d: {  	s5 =	simm.s32 @p1 $0x1;
	p0 =	seq.s32 s7, s2  }
0x1e: {  	s7 =	smul.u32 @!p0 $0xF7A, s2;
	p2 =	seq.s32 @!p0 s5, $0x0  }
0x1f: {  	s9 =	smul.u32 $0xF7A, s1;
	s8 =	simm.s32 @!p0 $0x1BF5;
	p2 =	por !p2, p0  }
0x20: {  	[sflag:s8] =	ssyncset.s32 @!p0 $0xFFFFF086;
	s6 =	sadd.s32 @!p0 s3, s7;
	s7 =	simm.s32 @!p0 $0x108  }
0x21: {  	s3 =	sadd.s32 s3, s9;
	s6 =	sadd.s32 @!p0 $0x88, s6;
	s7 =	simm.s32 @p2 $0x1082  }
0x22: {  	[simem:s7], [sflag:s8] =	dma.local @!p0 [hbm:s6], $0xF7A  }
0x23: {  	s9 =	sor.u32 $0xD0000000, s2;
	s6 =	simm.s32 $0x108;
	_ =	swait.ge @!p0 [sflag:s8], $0x0  }
0x24: {  	s3 =	sadd.s32 $0x88, s3;
	s6 =	simm.s32 @!p1 $0x1082;
	[sflag:s4] =	ssyncset.s32 $0xFFFFF086  }
0x25: {  	[simem:s6], [sflag:s4] =	dma.local [hbm:s3], $0xF7A  }
0x26: {  	[smem:$0x3F9B] =	sst s1;
	(tag) =	ssettag s2;
	_ =	strace s9  }
0x27: {  	s1 =	sld [smem:$0x3FAB]  }
0x28: {  	s2 =	sld [smem:$0x3FAC]  }
0x29: {  	s4 =	sld [smem:$0x3FAE]  }
0x2a: {  	p0 =	seq.s32 s5, $0x0;
	s5 =	sld [smem:$0x3FAF]  }
0x2b: {  	s6 =	sld [smem:$0x3FB0]  }
0x2c: {  	s7 =	sld [smem:$0x3FB1]  }
0x2d: {  	s3 =	simm.s32 $0x108;
	s8 =	sld [smem:$0x3FB2]  }
0x2e: {  	s3 =	simm.s32 @!p0 $0x1082;
	s9 =	sld [smem:$0x3FB3]  }
0x2f: {  	lr =	sadd.s32 s0, s3;
	s0 =	sld [smem:$0x3FAA]  }
0x30: {  	s3 =	sld [smem:$0x3FAD]  }
0x31: {  	[smem:$0x3FB6] =	sst s10  }
0x32: {  	s10 =	sld [smem:$0x3FB4];
	_ =	sdelay $0x3  }
0x33: {  	p0 =	seq.s32 s10, $0x1;
	s10 =	sld [smem:$0x3FB6];
	_ =	sdelay $0x3  }
0x34: {  	[smem:$0x3FB6] =	sst s10  }
0x35: {  	s10 =	sld [smem:$0x3FB5];
	_ =	sdelay $0x3  }
0x36: {  	p1 =	seq.s32 s10, $0x1;
	s10 =	sld [smem:$0x3FB6];
	_ =	sdelay $0x3  }
0x37: {  	[smem:$0x3FB6] =	sst s10  }
0x38: {  	s10 =	sld [smem:$0x3FB7]  }
0x39: {  	_ = 	snop;
	(pc) =	sbr.ind lr, $3  }
0x3a: {  	_ = 	snop  }
0x3b: {  	_ = 	snop  }
0x3c: {  	p2 =	seq.s32 s10, $0x1;
	s10 =	sld [smem:$0x3FB6]  }
0x3d: {  	_ =	shalt  }
0x3e: {  	_ =	shalt  }
0x3f: {  	_ =	shalt  }
0x40: {  	_ =	shalt  }
0x41: {  	_ =	shalt  }
0x42: {  	_ =	shalt  }
0x43: {  	_ =	shalt  }
0x44: {  	_ =	shalt  }
0x45: {  	_ =	shalt  }
0x46: {  	_ =	shalt  }
0x47: {  	_ =	shalt  }
0x48: {  	_ =	shalt  }
0x49: {  	_ =	shalt  }
0x4a: {  	_ =	shalt  }
0x4b: {  	_ =	shalt  }
0x4c: {  	_ =	shalt  }
0x4d: {  	_ =	shalt  }
0x4e: {  	_ =	shalt  }
0x4f: {  	_ =	shalt  }
0x50: {  	_ =	shalt  }
0x51: {  	_ =	shalt  }
0x52: {  	_ =	shalt  }
0x53: {  	_ =	shalt  }
0x54: {  	_ =	shalt  }
0x55: {  	_ =	shalt  }
0x56: {  	_ =	shalt  }
0x57: {  	_ =	shalt  }
0x58: {  	_ =	shalt  }
0x59: {  	_ =	shalt  }
0x5a: {  	_ =	shalt  }
0x5b: {  	_ =	shalt  }
0x5c: {  	_ =	shalt  }
0x5d: {  	_ =	shalt  }
0x5e: {  	_ =	shalt  }
0x5f: {  	_ =	shalt  }
0x60: {  	_ =	shalt  }
0x61: {  	_ =	shalt  }
0x62: {  	_ =	shalt  }
0x63: {  	_ =	shalt  }
0x64: {  	_ =	shalt  }
0x65: {  	_ =	shalt  }
0x66: {  	_ =	shalt  }
0x67: {  	_ =	shalt  }
0x68: {  	_ =	shalt  }
0x69: {  	_ =	shalt  }
0x6a: {  	_ =	shalt  }
0x6b: {  	_ =	shalt  }
0x6c: {  	_ =	shalt  }
0x6d: {  	_ =	shalt  }
0x6e: {  	_ =	shalt  }
0x6f: {  	_ =	shalt  }
0x70: {  	_ =	shalt  }
0x71: {  	_ =	shalt  }
0x72: {  	_ =	shalt  }
0x73: {  	_ =	shalt  }
0x74: {  	_ =	shalt  }
0x75: {  	_ =	shalt  }
0x76: {  	_ =	shalt  }
0x77: {  	_ =	shalt  }
0x78: {  	_ =	shalt  }
0x79: {  	_ =	shalt  }
0x7a: {  	_ =	shalt  }
0x7b: {  	_ =	shalt  }
0x7c: {  	_ =	shalt  }
0x7d: {  	_ =	shalt  }
0x7e: {  	_ =	shalt  }
0x7f: {  	_ =	shalt  }
0x80: {  	_ =	shalt  }
0x81: {  	_ =	shalt  }
0x82: {  	_ =	shalt  }
0x83: {  	_ =	shalt  }
0x84: {  	_ =	shalt  }
0x85: {  	_ =	shalt  }
0x86: {  	_ =	shalt  }
0x87: {  	_ =	shalt  }
.Lfunc_end0:
.L_simem_size_0:
called_computation_lowered:
.L_overlay_start_0:
0x88: {  	s2 =	sld [smem:$0x3FD9]  }
0x89: {  	s3 =	sld [smem:$0x3FFE];
	_ =	sdelay $0x1  }
0x8a: {  	s1 =	srdreg.scid  }
0x8b: {  	s0 =	sand.u32 $0x1, s1  }
0x8c: {  	s17 =	sshll.u32 s0, $0xA;
	s2 =	sadd.s32 s3, s2  }
0x8d: {  	s2 =	sadd.s32 s2, s17  }
0x8e: {  	[smem:$0x3FC2] =	sst s2  }
0x8f: {  	_ = 	snop  }
0x90: {  	s2 =	sld [smem:$0x3FD0];
	(tm) =	ssettm $0x1  }
0x91: {  	s18 =	sld [smem:$0x3FFB];
	_ =	sdelay $0x3  }
0x92: {  	_ =	strace s18  }
0x93: {  	s3 =	sld [smem:$0x3FFC];
	_ =	sdelay $0x3  }
0x94: {  	_ =	strace s3  }
0x95: {  	s3 =	sld [smem:$0x3FFD];
	_ =	sdelay $0x3  }
0x96: {  	_ =	strace s3  }
0x97: {  	_ =	strace $0x8FFFFFFF  }
0x98: {  	s19 =	sld [smem:$0x3FDB];
	_ =	sdelay $0x1  }
0x99: {  	s4 =	simm.s32 $_scs_section_size  }
0x9a: {  	s5 =	simm.s32 $_size__tile_overlayer_lowered;
	s6 =	simm.s32 $_tile_overlayer_lowered  }
0x9b: {  	s22 =	simm.s32 $0x1BFF;
	s21 =	sshll.u32 s6, $0x1;
	s3 =	sadd.s32 s4, s19  }
0x9c: {  	s7 =	simm.s32 $0x0;
	s20 =	sshll.u32 s5, $0x1;
	s5 =	sadd.s32 s21, s3  }
0x9d: {  	[timem:s7], [sflag:s22] =	dma.local [hbm:s5], s20  }
0x9e: {  	_ =	swait.ge [sflag:s22], s20  }
0x9f: {  	s4 =	ssub.s32 $0x0, s20;
	[sflag:s22] =	ssyncset.done $0x0  }
0xa0: {  	[sflag:s22] =	ssyncadd.s32 s4;
	_ =	sdelay $0x1  }
0xa1: {  	s23 =	simm.s32 $0x1B8B  }
0xa2: {  	_ =	swait.ge [sflag:s23], $0x1  }
0xa3: {  	[sflag:s23] =	ssyncset.done $0x0  }
0xa4: {  	s25 =	simm.s32 $0x1B8E;
	s24 =	sld [smem:$0x3FFE];
	[sflag:s23] =	ssyncadd.s32 $0xFFFFFFFF  }
0xa5: {  	s26 =	simm.s32 $execute0_lowered;
	[smem:$0x3FD2] =	sst s25  }
0xa6: {  	s5 =	sshll.u32 s26, $0x1;
	_ =	strace $0x80000046;
	[dreg:$0x1] =	wrdreg $0xFFFFFFFF  }
0xa7: {  	s28 =	simm.s32 $_size_execute0_lowered;
	s3 =	sadd.s32 s3, s5;
	[dreg:$0x0] =	wrdreg $0x0  }
0xa8: {  	s5 =	sshll.u32 s28, $0x1;
	[dreg:$0x2] =	wrdreg s3  }
0xa9: {  	[dreg:$0x3] =	wrdreg s5  }
0xaa: {  	[dreg:$0x4] =	wrdreg $0xC0  }
0xab: {  	_ =	task [dreg:s7], $0x5FFFF  }
0xac: {  	[dreg:$0x1] =	wrdreg $0xFFFFFFFF  }
0xad: {  	[dreg:$0x0] =	wrdreg $0x60  }
0xae: {  	[dreg:$0x2] =	wrdreg s24  }
0xaf: {  	[dreg:$0x3] =	wrdreg s2  }
0xb0: {  	[dreg:$0x4] =	wrdreg $0x68000  }
0xb1: {  	[dreg:$0x5] =	wrdreg $0x9  }
0xb2: {  	_ =	task.clear_ibuf [dreg:s7], $0x6FFFF;
	_ =	strace $0x90000046  }
0xb3: {  	s29 =	simm.s32 $0x9;
	_ =	strace $0x80000048  }
0xb4: {  	_ =	swait.ge [sflag:s29], $0x1  }
0xb5: {  	[sflag:s29] =	ssyncadd.s32 $0xFFFFFFFF  }
0xb6: {  	_ =	strace $0x90000048  }
0xb7: {  	_ =	sfence  }
0xb8: {  	s30 =	sld [smem:$0x0];
	_ =	sdelay $0x2  }
0xb9: {  	s31 =	sshll.u32 s1, $0xD;
	s1 =	sshrl.u32 s1, $0x2  }
0xba: {  	s3 =	sand.u32 $0x4000, s31;
	s1 =	sadd.s32 s1, s30  }
0xbb: {  	s0 =	sor.u32 s3, s0;
	s1 =	sshll.u32 s1, $0x11  }
0xbc: {  	s0 =	sor.u32 s1, s0  }
0xbd: {  	s0 =	sadd.s32 $0x8F2B, s0  }
0xbe: {  	[sflag:s0] =	ssyncadd.remote.s32 $0x1  }
0xbf: {  	_ =	sfence.sel $0xFFFF  }
0xc0: {  	[dreg:$0x0] =	wrdreg $0xFFFFFFFF;
	(pc) =	sbr.abs _section_cstart, $3  }
0xc1: {  	[dreg:$0x1] =	wrdreg $0xFFFFFFFF  }
0xc2: {  	_ =	task.clear_ibuf [dreg:s7], $0x2FFFF;
	_ =	strace $0x9FFFFFFF  }
0xc3: {  	(tm) =	ssettm $0x7FFFFFFF  }
tec
execute0_lowered:
.L_overlay_start_1:
0x0: {  	(tag) =	ssettag $0x1  }
0x1: {  	s4 =	rddreg [dreg:$0x0]  }
0x2: {  	s5 =	rddreg [dreg:$0x1]  }
0x3: {  	s2 =	rddreg [dreg:$0x2]  }
0x4: {  	s0 =	rddreg [dreg:$0x3];
	s1 =	stileid.u32  }
0x5: {  	s3 =	simm.s32 $0x0;
	s7 =	srdreg.scid;
	s10 =	simm.s32 $0x4000  }
0x6: {  	s11 =	simm.s32 $0x1;
	s12 =	simm.s32 $0x3C00;
	s13 =	simm.s32 $0x3C80  }
0x7: {  	s14 =	simm.s32 $0x3D00;
	s15 =	simm.s32 $0x3D80;
	s16 =	simm.s32 $0x3E00  }
0x8: {  	s17 =	simm.s32 $0x0;
	s6 =	sshll.u32 s1, $0xB;
	s31 =	sand.u32 $0x1, s7  }
0x9: {  	[smem:$0x7FF] =	sst s3;
	s4 =	sadd.s32 s6, s4;
	s7 =	ssub.s32 $0x2, s31  }
0xa: {  	s8 =	sshll.u32 s31, $0xF;
	s6 =	smul.u32 $0x4E2, s31;
	_ =	strace $0x80000047  }
0xb: {  	s9 =	sshrl.u32 s7, $0x1;
	s4 =	sadd.s32 s8, s4;
	s8 =	simm.s32 $0x2  }
0xc: {  	s7 =	ssub.s32 s7, s9;
	s4 =	sadd.s32 $0xB400, s4;
	s5 =	sadd.s32 s5, s6  }
0xd: {  	v0 =	vimm.f32 $1.000000000e+00;
	v1 =	vimm.f32 $0.0e+00;
	s9 =	simm.s32 $0x50;
	s6 =	smax.u32 s7, $0x1;
	s7 =	simm.s32 $0x4080  }
.LBB2_1:
0xe: {  	[tilespmem:$0x4000] =	vst v0  }
0xf: {  	[tilespmem:$0x4010] =	vst v0  }
0x10: {  	[tilespmem:$0x4020] =	vst v0  }
0x11: {  	[tilespmem:$0x4030] =	vst v0  }
0x12: {  	[tilespmem:$0x4040] =	vst v0;
	s18 =	simm.s32 $0x40;
	s19 =	simm.s32 $0x0  }
.LBB2_2:
0x13: {  	p0 =	sne.s32 s18, $0x9C00;
	[tilespmem:s19+$0x4080] =	vst v1;
	s19 =	smov.u32 s18;
	s18 =	sadd.s32 $0x40, s18  }
.Ltmp0:
0x14: {  	(pc) =	sbr.rel @p0 .LBB2_2-.Ltmp0, $2  }
0x15: {  	_ =	sdelay $0x2  }
0x16: {  	s19 =	sshra.s32 s19, $0x2  }
0x17: {  	[tilespmem:s19+$0x4080] =	vst v1  }
0x18: {  	[spmem:s2] =	stream.linear.scatter [tilespmem:s7], [sflag:$0x2], $0x2780, $0x38;
	[tilespmem:$0x6A78] =	vst v63  }
0x19: {  	_ =	swait.ge [sflag:s8], $0x2780  }
0x1a: {  	[sflag:s8] =	ssyncset.done $0x0  }
0x1b: {  	[sflag:s8] =	ssyncadd.s32 $0xFFFFD880  }
0x1c: {  	s18 =	simm.s32 $0x0;
	[bflag:$0x0] =	sbarrier.arrive $0xFFFF  }
0x1d: {  	[tilespmem:s18], [sflag:$0x2] =	stream.linear.gather [hbm4b:s4+s18], $0x3E80, $0x38;
	[tilespmem:$0x6A78] =	vst v63  }
0x1e: {  	_ =	swait.ge [sflag:s8], $0x3E80  }
0x1f: {  	[sflag:s8] =	ssyncset.done $0x0  }
0x20: {  	s23 =	simm.s32 $0x0;
	[sflag:s8] =	ssyncadd.s32 $0xFFFFC180  }
0x21: {  	[spmem:s2] =	stream.indirect.scatter.add.f32 [tilespmem:s10], [sflag:$0x1], $0x1, s23, s9, $0xb8;
	[tilespmem:$0x6A78] =	vst v63  }
0x22: {  	s24 =	simm.s32 $0x80  }
0x23: {  	[spmem:s2] =	stream.indirect.scatter.add.f32 [tilespmem:s10], [sflag:$0x1], $0x1, s24, s9, $0xb8;
	[tilespmem:$0x6A78] =	vst v63  }
0x24: {  	s25 =	simm.s32 $0x100  }
0x25: {  	[spmem:s2] =	stream.indirect.scatter.add.f32 [tilespmem:s10], [sflag:$0x1], $0x1, s25, s9, $0xb8;
	[tilespmem:$0x6A78] =	vst v63  }
0x26: {  	s26 =	simm.s32 $0x180  }
0x27: {  	[spmem:s2] =	stream.indirect.scatter.add.f32 [tilespmem:s10], [sflag:$0x1], $0x1, s26, s9, $0xb8;
	[tilespmem:$0x6A78] =	vst v63  }
0x28: {  	s28 =	simm.s32 $0x200  }
0x29: {  	[spmem:s2] =	stream.indirect.scatter.add.f32 [tilespmem:s10], [sflag:$0x1], $0x1, s28, s9, $0xb8;
	[tilespmem:$0x6A78] =	vst v63  }
0x2a: {  	s29 =	simm.s32 $0x280  }
0x2b: {  	[spmem:s2] =	stream.indirect.scatter.add.f32 [tilespmem:s10], [sflag:$0x1], $0x1, s29, s9, $0xb8;
	[tilespmem:$0x6A78] =	vst v63  }
0x2c: {  	s30 =	simm.s32 $0x300  }
0x2d: {  	[spmem:s2] =	stream.indirect.scatter.add.f32 [tilespmem:s10], [sflag:$0x1], $0x1, s30, s9, $0xb8;
	[tilespmem:$0x6A78] =	vst v63  }
0x2e: {  	s31 =	simm.s32 $0x380  }
0x2f: {  	[spmem:s2] =	stream.indirect.scatter.add.f32 [tilespmem:s10], [sflag:$0x1], $0x1, s31, s9, $0xb8;
	[tilespmem:$0x6A78] =	vst v63  }
0x30: {  	_ =	swait.ge [sflag:s11], $0x50  }
0x31: {  	[sflag:s11] =	ssyncset.done $0x0  }
0x32: {  	[sflag:s11] =	ssyncadd.s32 $0xFFFFFFB0  }
0x33: {  	_ =	swait.ge [sflag:s11], $0x50  }
0x34: {  	[sflag:s11] =	ssyncset.done $0x0  }
0x35: {  	[sflag:s11] =	ssyncadd.s32 $0xFFFFFFB0  }
0x36: {  	_ =	swait.ge [sflag:s11], $0x50  }
0x37: {  	[sflag:s11] =	ssyncset.done $0x0  }
0x38: {  	[sflag:s11] =	ssyncadd.s32 $0xFFFFFFB0  }
0x39: {  	_ =	swait.ge [sflag:s11], $0x50  }
0x3a: {  	[sflag:s11] =	ssyncset.done $0x0  }
0x3b: {  	[sflag:s11] =	ssyncadd.s32 $0xFFFFFFB0  }
0x3c: {  	_ =	swait.ge [sflag:s11], $0x50  }
0x3d: {  	[sflag:s11] =	ssyncset.done $0x0  }
0x3e: {  	[sflag:s11] =	ssyncadd.s32 $0xFFFFFFB0  }
0x3f: {  	_ =	swait.ge [sflag:s11], $0x50  }
0x40: {  	[sflag:s11] =	ssyncset.done $0x0  }
0x41: {  	[sflag:s11] =	ssyncadd.s32 $0xFFFFFFB0  }
0x42: {  	_ =	swait.ge [sflag:s11], $0x50  }
0x43: {  	[sflag:s11] =	ssyncset.done $0x0  }
0x44: {  	[sflag:s11] =	ssyncadd.s32 $0xFFFFFFB0  }
0x45: {  	_ =	swait.ge [sflag:s11], $0x50  }
0x46: {  	s20 =	simm.s32 $0x2000;
	s18 =	simm.s32 $0x1000;
	[sflag:s11] =	ssyncset.done $0x0  }
.LBB2_4:
0x47: {  	s21 =	sshra.s32 s18, $0x2  }
0x48: {  	[sflag:s11] =	ssyncadd.s32 $0xFFFFFFB0;
	s18 =	smov.u32 s20;
	s19 =	sadd.s32 $0x1000, s20  }
0x49: {  	[spmem:s2] =	stream.indirect.scatter.add.f32 [tilespmem:s10], [sflag:$0x1], $0x1, s21, s9, $0xb8;
	[tilespmem:$0x6A78] =	vst v63  }
0x4a: {  	p0 =	sne.s32 s20, $0xE000;
	s20 =	sadd.s32 $0x80, s21  }
0x4b: {  	[spmem:s2] =	stream.indirect.scatter.add.f32 [tilespmem:s10], [sflag:$0x1], $0x1, s20, s9, $0xb8;
	[tilespmem:$0x6A78] =	vst v63  }
0x4c: {  	s20 =	sadd.s32 $0x100, s21  }
0x4d: {  	[spmem:s2] =	stream.indirect.scatter.add.f32 [tilespmem:s10], [sflag:$0x1], $0x1, s20, s9, $0xb8;
	[tilespmem:$0x6A78] =	vst v63  }
0x4e: {  	s20 =	sadd.s32 $0x180, s21  }
0x4f: {  	[spmem:s2] =	stream.indirect.scatter.add.f32 [tilespmem:s10], [sflag:$0x1], $0x1, s20, s9, $0xb8;
	[tilespmem:$0x6A78] =	vst v63  }
0x50: {  	s20 =	sadd.s32 $0x200, s21  }
0x51: {  	[spmem:s2] =	stream.indirect.scatter.add.f32 [tilespmem:s10], [sflag:$0x1], $0x1, s20, s9, $0xb8;
	[tilespmem:$0x6A78] =	vst v63  }
0x52: {  	s20 =	sadd.s32 $0x280, s21  }
0x53: {  	[spmem:s2] =	stream.indirect.scatter.add.f32 [tilespmem:s10], [sflag:$0x1], $0x1, s20, s9, $0xb8;
	[tilespmem:$0x6A78] =	vst v63  }
0x54: {  	s20 =	sadd.s32 $0x300, s21  }
0x55: {  	[spmem:s2] =	stream.indirect.scatter.add.f32 [tilespmem:s10], [sflag:$0x1], $0x1, s20, s9, $0xb8;
	[tilespmem:$0x6A78] =	vst v63  }
0x56: {  	s20 =	sadd.s32 $0x380, s21  }
0x57: {  	[spmem:s2] =	stream.indirect.scatter.add.f32 [tilespmem:s10], [sflag:$0x1], $0x1, s20, s9, $0xb8;
	[tilespmem:$0x6A78] =	vst v63  }
0x58: {  	_ =	swait.ge [sflag:s11], $0x50  }
0x59: {  	[sflag:s11] =	ssyncset.done $0x0  }
0x5a: {  	[sflag:s11] =	ssyncadd.s32 $0xFFFFFFB0  }
0x5b: {  	_ =	swait.ge [sflag:s11], $0x50  }
0x5c: {  	[sflag:s11] =	ssyncset.done $0x0  }
0x5d: {  	[sflag:s11] =	ssyncadd.s32 $0xFFFFFFB0  }
0x5e: {  	_ =	swait.ge [sflag:s11], $0x50  }
0x5f: {  	[sflag:s11] =	ssyncset.done $0x0  }
0x60: {  	[sflag:s11] =	ssyncadd.s32 $0xFFFFFFB0  }
0x61: {  	_ =	swait.ge [sflag:s11], $0x50  }
0x62: {  	[sflag:s11] =	ssyncset.done $0x0  }
0x63: {  	[sflag:s11] =	ssyncadd.s32 $0xFFFFFFB0  }
0x64: {  	_ =	swait.ge [sflag:s11], $0x50  }
0x65: {  	[sflag:s11] =	ssyncset.done $0x0  }
0x66: {  	[sflag:s11] =	ssyncadd.s32 $0xFFFFFFB0  }
0x67: {  	_ =	swait.ge [sflag:s11], $0x50  }
0x68: {  	[sflag:s11] =	ssyncset.done $0x0  }
0x69: {  	[sflag:s11] =	ssyncadd.s32 $0xFFFFFFB0  }
.Ltmp1:
0x6a: {  	_ =	swait.ge [sflag:s11], $0x50;
	(pc) =	sbr.rel @p0 .LBB2_4-.Ltmp1, $4  }
0x6b: {  	[sflag:s11] =	ssyncset.done $0x0  }
0x6c: {  	[sflag:s11] =	ssyncadd.s32 $0xFFFFFFB0  }
0x6d: {  	_ =	swait.ge [sflag:s11], $0x50  }
0x6e: {  	s20 =	smov.u32 s19;
	[sflag:s11] =	ssyncset.done $0x0  }
0x6f: {  	s18 =	sshra.s32 s18, $0x2;
	[sflag:s11] =	ssyncadd.s32 $0xFFFFFFB0  }
0x70: {  	[spmem:s2] =	stream.indirect.scatter.add.f32 [tilespmem:s10], [sflag:$0x1], $0x1, s18, s9, $0xb8;
	[tilespmem:$0x6A78] =	vst v63  }
0x71: {  	s19 =	sadd.s32 $0x80, s18  }
0x72: {  	[spmem:s2] =	stream.indirect.scatter.add.f32 [tilespmem:s10], [sflag:$0x1], $0x1, s19, s9, $0xb8;
	[tilespmem:$0x6A78] =	vst v63  }
0x73: {  	s26 =	sadd.s32 $0x100, s18  }
0x74: {  	[spmem:s2] =	stream.indirect.scatter.add.f32 [tilespmem:s10], [sflag:$0x1], $0x1, s26, s9, $0xb8;
	[tilespmem:$0x6A78] =	vst v63  }
0x75: {  	s28 =	sadd.s32 $0x180, s18  }
0x76: {  	[spmem:s2] =	stream.indirect.scatter.add.f32 [tilespmem:s10], [sflag:$0x1], $0x1, s28, s9, $0xb8;
	[tilespmem:$0x6A78] =	vst v63  }
0x77: {  	s29 =	sadd.s32 $0x200, s18  }
0x78: {  	[spmem:s2] =	stream.indirect.scatter.add.f32 [tilespmem:s10], [sflag:$0x1], $0x1, s29, s9, $0xb8;
	[tilespmem:$0x6A78] =	vst v63  }
0x79: {  	s30 =	sadd.s32 $0x280, s18  }
0x7a: {  	[spmem:s2] =	stream.indirect.scatter.add.f32 [tilespmem:s10], [sflag:$0x1], $0x1, s30, s9, $0xb8;
	[tilespmem:$0x6A78] =	vst v63  }
0x7b: {  	s31 =	sadd.s32 $0x300, s18  }
0x7c: {  	[spmem:s2] =	stream.indirect.scatter.add.f32 [tilespmem:s10], [sflag:$0x1], $0x1, s31, s9, $0xb8;
	[tilespmem:$0x6A78] =	vst v63  }
0x7d: {  	s18 =	sadd.s32 $0x380, s18  }
0x7e: {  	[spmem:s2] =	stream.indirect.scatter.add.f32 [tilespmem:s10], [sflag:$0x1], $0x1, s18, s9, $0xb8;
	[tilespmem:$0x6A78] =	vst v63  }
0x7f: {  	_ =	swait.ge [sflag:s11], $0x50  }
0x80: {  	[sflag:s11] =	ssyncset.done $0x0  }
0x81: {  	[sflag:s11] =	ssyncadd.s32 $0xFFFFFFB0  }
0x82: {  	_ =	swait.ge [sflag:s11], $0x50  }
0x83: {  	[sflag:s11] =	ssyncset.done $0x0  }
0x84: {  	[sflag:s11] =	ssyncadd.s32 $0xFFFFFFB0  }
0x85: {  	_ =	swait.ge [sflag:s11], $0x50  }
0x86: {  	[sflag:s11] =	ssyncset.done $0x0  }
0x87: {  	[sflag:s11] =	ssyncadd.s32 $0xFFFFFFB0  }
0x88: {  	_ =	swait.ge [sflag:s11], $0x50  }
0x89: {  	[sflag:s11] =	ssyncset.done $0x0  }
0x8a: {  	[sflag:s11] =	ssyncadd.s32 $0xFFFFFFB0  }
0x8b: {  	_ =	swait.ge [sflag:s11], $0x50  }
0x8c: {  	[sflag:s11] =	ssyncset.done $0x0  }
0x8d: {  	[sflag:s11] =	ssyncadd.s32 $0xFFFFFFB0  }
0x8e: {  	_ =	swait.ge [sflag:s11], $0x50  }
0x8f: {  	[sflag:s11] =	ssyncset.done $0x0  }
0x90: {  	[sflag:s11] =	ssyncadd.s32 $0xFFFFFFB0  }
0x91: {  	_ =	swait.ge [sflag:s11], $0x50  }
0x92: {  	[sflag:s11] =	ssyncset.done $0x0  }
0x93: {  	[sflag:s11] =	ssyncadd.s32 $0xFFFFFFB0  }
0x94: {  	_ =	swait.ge [sflag:s11], $0x50  }
0x95: {  	[sflag:s11] =	ssyncset.done $0x0  }
0x96: {  	[sflag:s11] =	ssyncadd.s32 $0xFFFFFFB0  }
0x97: {  	[spmem:s2] =	stream.indirect.scatter.add.f32 [tilespmem:s10], [sflag:$0x1], $0x1, s12, s9, $0xb8;
	[tilespmem:$0x6A78] =	vst v63  }
0x98: {  	_ = 	snop  }
0x99: {  	[spmem:s2] =	stream.indirect.scatter.add.f32 [tilespmem:s10], [sflag:$0x1], $0x1, s13, s9, $0xb8;
	[tilespmem:$0x6A78] =	vst v63  }
0x9a: {  	_ = 	snop  }
0x9b: {  	[spmem:s2] =	stream.indirect.scatter.add.f32 [tilespmem:s10], [sflag:$0x1], $0x1, s14, s9, $0xb8;
	[tilespmem:$0x6A78] =	vst v63  }
0x9c: {  	_ = 	snop  }
0x9d: {  	[spmem:s2] =	stream.indirect.scatter.add.f32 [tilespmem:s10], [sflag:$0x1], $0x1, s15, s9, $0xb8;
	[tilespmem:$0x6A78] =	vst v63  }
0x9e: {  	_ = 	snop  }
0x9f: {  	[spmem:s2] =	stream.indirect.scatter.add.f32 [tilespmem:s10], [sflag:$0x1], $0x1, s16, s9, $0xb8;
	[tilespmem:$0x6A78] =	vst v63  }
0xa0: {  	_ =	swait.ge [sflag:s11], $0x50  }
0xa1: {  	[sflag:s11] =	ssyncset.done $0x0  }
0xa2: {  	[sflag:s11] =	ssyncadd.s32 $0xFFFFFFB0  }
0xa3: {  	_ =	swait.ge [sflag:s11], $0x50  }
0xa4: {  	[sflag:s11] =	ssyncset.done $0x0  }
0xa5: {  	[sflag:s11] =	ssyncadd.s32 $0xFFFFFFB0  }
0xa6: {  	_ =	swait.ge [sflag:s11], $0x50  }
0xa7: {  	[sflag:s11] =	ssyncset.done $0x0  }
0xa8: {  	[sflag:s11] =	ssyncadd.s32 $0xFFFFFFB0  }
0xa9: {  	_ =	swait.ge [sflag:s11], $0x50  }
0xaa: {  	[sflag:s11] =	ssyncset.done $0x0  }
0xab: {  	[sflag:s11] =	ssyncadd.s32 $0xFFFFFFB0  }
0xac: {  	_ =	swait.ge [sflag:s11], $0x50  }
0xad: {  	[sflag:s11] =	ssyncset.done $0x0  }
0xae: {  	[sflag:s11] =	ssyncadd.s32 $0xFFFFFFB0  }
0xaf: {  	[bflag:$0x0] =	sbarrier.arrive $0xFFFF  }
0xb0: {  	[tilespmem:s7], [sflag:$0x2] =	stream.linear.gather [spmem:s2], $0x2780, $0x38;
	[tilespmem:$0x6A78] =	vst v63  }
0xb1: {  	s17 =	sadd.s32 $0x1, s17;
	_ =	swait.ge [sflag:s8], $0x2780  }
0xb2: {  	p0 =	sne.s32 s17, s6;
	[sflag:s8] =	ssyncset.done $0x0  }
.Ltmp2:
0xb3: {  	[sflag:s8] =	ssyncadd.s32 $0xFFFFD880;
	(pc) =	sbr.rel @p0 .LBB2_1-.Ltmp2, $4  }
0xb4: {  	[hbm4b:s5+s3] =	stream.linear.scatter [tilespmem:s7], [sflag:$0x2], $0x2710, $0x38;
	[tilespmem:$0x6A78] =	vst v63  }
0xb5: {  	_ =	swait.ge [sflag:s8], $0x2710  }
0xb6: {  	[sflag:s8] =	ssyncset.done $0x0  }
0xb7: {  	[sflag:s8] =	ssyncadd.s32 $0xFFFFD8F0  }
0xb8: {  	_ =	sfence.sel $0x180000  }
0xb9: {  	[bflag:$0x0] =	sbarrier.arrive $0xFFFF  }
0xba: {  	p0 =	sne.s32 s1, $0x0;
	_ =	strace $0x90000047  }
0xbb: {  	s0 =	sadd.s32 @!p0 $0x100000, s0;
	[bflag:$0x2] =	sbarrier.arrive $0xFFFF  }
0xbc: {  	[sflag:s0] =	ssyncadd.tile.s32 @!p0 $0x1;
	_ =	shalt  }
.Lfunc_end2:
_tile_overlayer_lowered:
.L_overlay_start_2:
0xbd: {  	(tag) =	ssettag $0x2  }
0xbe: {  	s0 =	rddreg [dreg:$0x0];
	s2 =	stileid.u32  }
0xbf: {  	s1 =	rddreg [dreg:$0x1];
	p0 =	sne.s32 s2, $0x0  }
0xc0: {  	s3 =	rddreg [dreg:$0x2];
	[bflag:$0x3] =	sbarrier.arrive $0xFFFF;
	s2 =	simm.s32 @!p0 $0x1C02  }
0xc1: {  	[timem:s3], [sflag:s2] =	dma.local @!p0 [hbm:s0], s1  }
0xc2: {  	s0 =	simm.s32 @!p0 $0x2  }
0xc3: {  	_ =	swait.ge @!p0 [sflag:s0], s1  }
0xc4: {  	s1 =	ssub.s32 @!p0 $0x0, s1;
	[sflag:s0] =	ssyncset.done @!p0 $0x0  }
0xc5: {  	[sflag:s0] =	ssyncadd.s32 @!p0 s1  }
0xc6: {  	[bflag:$0x3] =	sbarrier.arrive $0xFFFF  }
0xc7: {  	_ =	shalt  }

// kernel: kernel.9.cloned.1.call-start
scs
__scs_entry_jumppad:
0x0: {  	(pc) =	sbr.rel $0x88, $3  }
0x1: {  	(tag) =	ssettag $0x0;
	lr =	simm.s32 $0x1  }
0x2: {  	[smem:$0x3F9B] =	sst lr;
	_ =	strace $0xD0000000  }
0x3: {  	_ = 	snop  }
0x4: {  	_ = 	snop  }
0x5: {  	_ = 	snop  }
0x6: {  	_ = 	snop  }
0x7: {  	_ = 	snop  }
__scs_overlays_trampoline_lowered:
0x8: {  	[smem:$0x3FAA] =	sst s0  }
0x9: {  	[smem:$0x3FAB] =	sst s1  }
0xa: {  	[smem:$0x3FAC] =	sst s2  }
0xb: {  	[smem:$0x3FAD] =	sst s3  }
0xc: {  	[smem:$0x3FAE] =	sst s4  }
0xd: {  	[smem:$0x3FAF] =	sst s5  }
0xe: {  	[smem:$0x3FB0] =	sst s6  }
0xf: {  	[smem:$0x3FB1] =	sst s7  }
0x10: {  	[smem:$0x3FB2] =	sst s8  }
0x11: {  	[smem:$0x3FB3] =	sst s9;
	s0 =	simm.s32 @!p0 $0x0  }
0x12: {  	s1 =	sld [smem:$0x3F99];
	s0 =	simm.s32 @p0 $0x1  }
0x13: {  	[smem:$0x3FB4] =	sst s0;
	s0 =	simm.s32 @!p1 $0x0  }
0x14: {  	s2 =	sld [smem:$0x3F98];
	s0 =	simm.s32 @p1 $0x1  }
0x15: {  	[smem:$0x3FB5] =	sst s0;
	s0 =	simm.s32 @!p2 $0x0  }
0x16: {  	s3 =	sld [smem:$0x3FDB];
	s0 =	simm.s32 @p2 $0x1  }
0x17: {  	s4 =	simm.s32 $0x1BF5;
	[smem:$0x3FB7] =	sst s0  }
0x18: {  	s0 =	sld [smem:$0x3F9A];
	_ =	swait.ge [sflag:s4], $0x0  }
0x19: {  	s7 =	sld [smem:$0x3F9B]  }
0x1a: {  	s8 =	sadd.s32 $0xFFFFE003, lr  }
0x1b: {  	s9 =	sadd.s32 $0xFFFFFEF7, lr;
	s5 =	simm.s32 $0xFFFFFFFF;
	p2 =	slt.u32 s8, $0xFFFFF086  }
0x1c: {  	p1 =	slt.u32 s9, $0xF7A;
	s5 =	simm.s32 @!p2 $0x0  }
0x1d: {  	s5 =	simm.s32 @p1 $0x1;
	p0 =	seq.s32 s7, s2  }
0x1e: {  	s7 =	smul.u32 @!p0 $0xF7A, s2;
	p2 =	seq.s32 @!p0 s5, $0x0  }
0x1f: {  	s9 =	smul.u32 $0xF7A, s1;
	s8 =	simm.s32 @!p0 $0x1BF5;
	p2 =	por !p2, p0  }
0x20: {  	[sflag:s8] =	ssyncset.s32 @!p0 $0xFFFFF086;
	s6 =	sadd.s32 @!p0 s3, s7;
	s7 =	simm.s32 @!p0 $0x108  }
0x21: {  	s3 =	sadd.s32 s3, s9;
	s6 =	sadd.s32 @!p0 $0x88, s6;
	s7 =	simm.s32 @p2 $0x1082  }
0x22: {  	[simem:s7], [sflag:s8] =	dma.local @!p0 [hbm:s6], $0xF7A  }
0x23: {  	s9 =	sor.u32 $0xD0000000, s2;
	s6 =	simm.s32 $0x108;
	_ =	swait.ge @!p0 [sflag:s8], $0x0  }
0x24: {  	s3 =	sadd.s32 $0x88, s3;
	s6 =	simm.s32 @!p1 $0x1082;
	[sflag:s4] =	ssyncset.s32 $0xFFFFF086  }
0x25: {  	[simem:s6], [sflag:s4] =	dma.local [hbm:s3], $0xF7A  }
0x26: {  	[smem:$0x3F9B] =	sst s1;
	(tag) =	ssettag s2;
	_ =	strace s9  }
0x27: {  	s1 =	sld [smem:$0x3FAB]  }
0x28: {  	s2 =	sld [smem:$0x3FAC]  }
0x29: {  	s4 =	sld [smem:$0x3FAE]  }
0x2a: {  	p0 =	seq.s32 s5, $0x0;
	s5 =	sld [smem:$0x3FAF]  }
0x2b: {  	s6 =	sld [smem:$0x3FB0]  }
0x2c: {  	s7 =	sld [smem:$0x3FB1]  }
0x2d: {  	s3 =	simm.s32 $0x108;
	s8 =	sld [smem:$0x3FB2]  }
0x2e: {  	s3 =	simm.s32 @!p0 $0x1082;
	s9 =	sld [smem:$0x3FB3]  }
0x2f: {  	lr =	sadd.s32 s0, s3;
	s0 =	sld [smem:$0x3FAA]  }
0x30: {  	s3 =	sld [smem:$0x3FAD]  }
0x31: {  	[smem:$0x3FB6] =	sst s10  }
0x32: {  	s10 =	sld [smem:$0x3FB4];
	_ =	sdelay $0x3  }
0x33: {  	p0 =	seq.s32 s10, $0x1;
	s10 =	sld [smem:$0x3FB6];
	_ =	sdelay $0x3  }
0x34: {  	[smem:$0x3FB6] =	sst s10  }
0x35: {  	s10 =	sld [smem:$0x3FB5];
	_ =	sdelay $0x3  }
0x36: {  	p1 =	seq.s32 s10, $0x1;
	s10 =	sld [smem:$0x3FB6];
	_ =	sdelay $0x3  }
0x37: {  	[smem:$0x3FB6] =	sst s10  }
0x38: {  	s10 =	sld [smem:$0x3FB7]  }
0x39: {  	_ = 	snop;
	(pc) =	sbr.ind lr, $3  }
0x3a: {  	_ = 	snop  }
0x3b: {  	_ = 	snop  }
0x3c: {  	p2 =	seq.s32 s10, $0x1;
	s10 =	sld [smem:$0x3FB6]  }
0x3d: {  	_ =	shalt  }
0x3e: {  	_ =	shalt  }
0x3f: {  	_ =	shalt  }
0x40: {  	_ =	shalt  }
0x41: {  	_ =	shalt  }
0x42: {  	_ =	shalt  }
0x43: {  	_ =	shalt  }
0x44: {  	_ =	shalt  }
0x45: {  	_ =	shalt  }
0x46: {  	_ =	shalt  }
0x47: {  	_ =	shalt  }
0x48: {  	_ =	shalt  }
0x49: {  	_ =	shalt  }
0x4a: {  	_ =	shalt  }
0x4b: {  	_ =	shalt  }
0x4c: {  	_ =	shalt  }
0x4d: {  	_ =	shalt  }
0x4e: {  	_ =	shalt  }
0x4f: {  	_ =	shalt  }
0x50: {  	_ =	shalt  }
0x51: {  	_ =	shalt  }
0x52: {  	_ =	shalt  }
0x53: {  	_ =	shalt  }
0x54: {  	_ =	shalt  }
0x55: {  	_ =	shalt  }
0x56: {  	_ =	shalt  }
0x57: {  	_ =	shalt  }
0x58: {  	_ =	shalt  }
0x59: {  	_ =	shalt  }
0x5a: {  	_ =	shalt  }
0x5b: {  	_ =	shalt  }
0x5c: {  	_ =	shalt  }
0x5d: {  	_ =	shalt  }
0x5e: {  	_ =	shalt  }
0x5f: {  	_ =	shalt  }
0x60: {  	_ =	shalt  }
0x61: {  	_ =	shalt  }
0x62: {  	_ =	shalt  }
0x63: {  	_ =	shalt  }
0x64: {  	_ =	shalt  }
0x65: {  	_ =	shalt  }
0x66: {  	_ =	shalt  }
0x67: {  	_ =	shalt  }
0x68: {  	_ =	shalt  }
0x69: {  	_ =	shalt  }
0x6a: {  	_ =	shalt  }
0x6b: {  	_ =	shalt  }
0x6c: {  	_ =	shalt  }
0x6d: {  	_ =	shalt  }
0x6e: {  	_ =	shalt  }
0x6f: {  	_ =	shalt  }
0x70: {  	_ =	shalt  }
0x71: {  	_ =	shalt  }
0x72: {  	_ =	shalt  }
0x73: {  	_ =	shalt  }
0x74: {  	_ =	shalt  }
0x75: {  	_ =	shalt  }
0x76: {  	_ =	shalt  }
0x77: {  	_ =	shalt  }
0x78: {  	_ =	shalt  }
0x79: {  	_ =	shalt  }
0x7a: {  	_ =	shalt  }
0x7b: {  	_ =	shalt  }
0x7c: {  	_ =	shalt  }
0x7d: {  	_ =	shalt  }
0x7e: {  	_ =	shalt  }
0x7f: {  	_ =	shalt  }
0x80: {  	_ =	shalt  }
0x81: {  	_ =	shalt  }
0x82: {  	_ =	shalt  }
0x83: {  	_ =	shalt  }
0x84: {  	_ =	shalt  }
0x85: {  	_ =	shalt  }
0x86: {  	_ =	shalt  }
0x87: {  	_ =	shalt  }
.Lfunc_end0:
.L_simem_size_0:
called_computation.1_lowered:
.L_overlay_start_0:
0x88: {  	s2 =	sld [smem:$0x3FD9]  }
0x89: {  	s3 =	sld [smem:$0x3FFE];
	_ =	sdelay $0x1  }
0x8a: {  	s1 =	srdreg.scid  }
0x8b: {  	s0 =	sand.u32 $0x1, s1  }
0x8c: {  	s17 =	sshll.u32 s0, $0xA;
	s2 =	sadd.s32 s3, s2  }
0x8d: {  	s2 =	sadd.s32 s2, s17  }
0x8e: {  	[smem:$0x3FC2] =	sst s2  }
0x8f: {  	_ = 	snop  }
0x90: {  	s2 =	sld [smem:$0x3FD0];
	(tm) =	ssettm $0x1  }
0x91: {  	s18 =	sld [smem:$0x3FFB];
	_ =	sdelay $0x3  }
0x92: {  	_ =	strace s18  }
0x93: {  	s3 =	sld [smem:$0x3FFC];
	_ =	sdelay $0x3  }
0x94: {  	_ =	strace s3  }
0x95: {  	s3 =	sld [smem:$0x3FFD];
	_ =	sdelay $0x3  }
0x96: {  	_ =	strace s3  }
0x97: {  	_ =	strace $0x8FFFFFFF  }
0x98: {  	s19 =	sld [smem:$0x3FDB];
	_ =	sdelay $0x1  }
0x99: {  	s4 =	simm.s32 $_scs_section_size  }
0x9a: {  	s5 =	simm.s32 $_size__tile_overlayer_lowered;
	s6 =	simm.s32 $_tile_overlayer_lowered  }
0x9b: {  	s22 =	simm.s32 $0x1BFF;
	s21 =	sshll.u32 s6, $0x1;
	s3 =	sadd.s32 s4, s19  }
0x9c: {  	s7 =	simm.s32 $0x0;
	s20 =	sshll.u32 s5, $0x1;
	s5 =	sadd.s32 s21, s3  }
0x9d: {  	[timem:s7], [sflag:s22] =	dma.local [hbm:s5], s20  }
0x9e: {  	_ =	swait.ge [sflag:s22], s20  }
0x9f: {  	s4 =	ssub.s32 $0x0, s20;
	[sflag:s22] =	ssyncset.done $0x0  }
0xa0: {  	[sflag:s22] =	ssyncadd.s32 s4;
	_ =	sdelay $0x1  }
0xa1: {  	s23 =	simm.s32 $0x1B8B  }
0xa2: {  	_ =	swait.ge [sflag:s23], $0x1  }
0xa3: {  	[sflag:s23] =	ssyncset.done $0x0  }
0xa4: {  	s25 =	simm.s32 $0x1B8E;
	s24 =	sld [smem:$0x3FFE];
	[sflag:s23] =	ssyncadd.s32 $0xFFFFFFFF  }
0xa5: {  	s26 =	simm.s32 $execute0_lowered;
	[smem:$0x3FD2] =	sst s25  }
0xa6: {  	s5 =	sshll.u32 s26, $0x1;
	_ =	strace $0x80000049;
	[dreg:$0x1] =	wrdreg $0xFFFFFFFF  }
0xa7: {  	s28 =	simm.s32 $_size_execute0_lowered;
	s3 =	sadd.s32 s3, s5;
	[dreg:$0x0] =	wrdreg $0x0  }
0xa8: {  	s5 =	sshll.u32 s28, $0x1;
	[dreg:$0x2] =	wrdreg s3  }
0xa9: {  	[dreg:$0x3] =	wrdreg s5  }
0xaa: {  	[dreg:$0x4] =	wrdreg $0xC0  }
0xab: {  	_ =	task [dreg:s7], $0x5FFFF  }
0xac: {  	[dreg:$0x1] =	wrdreg $0xFFFFFFFF  }
0xad: {  	[dreg:$0x0] =	wrdreg $0x60  }
0xae: {  	[dreg:$0x2] =	wrdreg s24  }
0xaf: {  	[dreg:$0x3] =	wrdreg s2  }
0xb0: {  	[dreg:$0x4] =	wrdreg $0xB7800  }
0xb1: {  	[dreg:$0x5] =	wrdreg $0x9  }
0xb2: {  	_ =	task.clear_ibuf [dreg:s7], $0x6FFFF;
	_ =	strace $0x90000049  }
0xb3: {  	s29 =	simm.s32 $0x9;
	_ =	strace $0x8000004B  }
0xb4: {  	_ =	swait.ge [sflag:s29], $0x1  }
0xb5: {  	[sflag:s29] =	ssyncadd.s32 $0xFFFFFFFF  }
0xb6: {  	_ =	strace $0x9000004B  }
0xb7: {  	_ =	sfence  }
0xb8: {  	s30 =	sld [smem:$0x0];
	_ =	sdelay $0x2  }
0xb9: {  	s31 =	sshll.u32 s1, $0xD;
	s1 =	sshrl.u32 s1, $0x2  }
0xba: {  	s3 =	sand.u32 $0x4000, s31;
	s1 =	sadd.s32 s1, s30  }
0xbb: {  	s0 =	sor.u32 s3, s0;
	s1 =	sshll.u32 s1, $0x11  }
0xbc: {  	s0 =	sor.u32 s1, s0  }
0xbd: {  	s0 =	sadd.s32 $0x8F2B, s0  }
0xbe: {  	[sflag:s0] =	ssyncadd.remote.s32 $0x1  }
0xbf: {  	_ =	sfence.sel $0xFFFF  }
0xc0: {  	[dreg:$0x0] =	wrdreg $0xFFFFFFFF;
	(pc) =	sbr.abs _section_cstart, $3  }
0xc1: {  	[dreg:$0x1] =	wrdreg $0xFFFFFFFF  }
0xc2: {  	_ =	task.clear_ibuf [dreg:s7], $0x2FFFF;
	_ =	strace $0x9FFFFFFF  }
0xc3: {  	(tm) =	ssettm $0x7FFFFFFF  }
tec
execute0_lowered:
.L_overlay_start_1:
0x0: {  	(tag) =	ssettag $0x1  }
0x1: {  	s0 =	rddreg [dreg:$0x0]  }
0x2: {  	s1 =	srdreg.scid;
	s2 =	rddreg [dreg:$0x1]  }
0x3: {  	s3 =	rddreg [dreg:$0x2];
	s9 =	stileid.u32;
	s4 =	simm.s32 $0x0  }
0x4: {  	s28 =	simm.s32 $0x6780;
	s29 =	simm.s32 $0x3;
	s30 =	simm.s32 $0x1  }
0x5: {  	s31 =	simm.s32 $0x2;
	s1 =	sand.u32 $0x1, s1;
	s12 =	smul.u32 $0x270, s9  }
0x6: {  	[smem:$0x7FF] =	sst s4;
	s5 =	sshll.u32 s1, $0x4;
	s19 =	smul.u32 $0x2710, s1  }
0x7: {  	_ =	strace $0x8000004A;
	s7 =	ssub.s32 $0x2, s1;
	s1 =	smul.u32 $0x138800, s1  }
0x8: {  	s5 =	sor.u32 s9, s5;
	s8 =	sshrl.u32 s7, $0x1;
	s25 =	sadd.s32 $0x50, s12  }
0x9: {  	s26 =	sadd.s32 $0xA0, s12;
	s9 =	smul.u32 $0x4E000, s9;
	s13 =	sadd.s32 $0xF0, s12  }
0xa: {  	s14 =	sadd.s32 $0x140, s12;
	s16 =	sadd.s32 $0x190, s12;
	s17 =	sadd.s32 $0x1E0, s12  }
0xb: {  	s18 =	sadd.s32 $0x230, s12;
	s6 =	smul.u32 $0x4E2, s5;
	s5 =	sshll.u32 s5, $0xB  }
0xc: {  	s15 =	ssub.s32 s7, s8;
	s10 =	sshll.u32 s25, $0x7;
	s11 =	sshll.u32 s26, $0x7  }
0xd: {  	s20 =	sshll.u32 s16, $0x7;
	s21 =	sshll.u32 s17, $0x7;
	s22 =	sadd.s32 s12, s19  }
0xe: {  	s23 =	sadd.s32 s19, s13;
	s24 =	sadd.s32 s19, s14;
	s16 =	sadd.s32 s19, s16  }
0xf: {  	s17 =	sadd.s32 s19, s17;
	s1 =	sshrl.u32 s1, $0x3;
	s5 =	sadd.s32 s5, s0  }
0x10: {  	s7 =	sshrl.u32 s9, $0x2;
	s8 =	sadd.s32 s10, s3;
	s9 =	sadd.s32 s11, s3  }
0x11: {  	s10 =	sshll.u32 s13, $0x7;
	s11 =	sshll.u32 s14, $0x7;
	s12 =	sadd.s32 s20, s3  }
0x12: {  	s13 =	sadd.s32 s21, s3;
	s20 =	sshll.u32 s23, $0x4;
	s21 =	sshll.u32 s24, $0x4  }
0x13: {  	s23 =	sshll.u32 s16, $0x4;
	s24 =	sshll.u32 s17, $0x4;
	s6 =	sadd.s32 s6, s0  }
0x14: {  	s0 =	sadd.s32 $0x69600, s0;
	s5 =	sadd.s32 $0xB400, s5;
	s7 =	sadd.s32 s7, s3  }
0x15: {  	s10 =	sadd.s32 s10, s3;
	s11 =	sadd.s32 s11, s3;
	s6 =	sadd.s32 $0x1600, s6  }
0x16: {  	[dreg:$0x5] =	wrdreg s5;
	s5 =	sadd.s32 s19, s25;
	s25 =	sadd.s32 s19, s18  }
0x17: {  	s1 =	sadd.s32 s0, s1;
	[dreg:$0x4] =	wrdreg s6;
	s6 =	sadd.s32 s19, s26  }
0x18: {  	s19 =	sshll.u32 s18, $0x7;
	s26 =	sshll.u32 s22, $0x4;
	s5 =	sshll.u32 s5, $0x4  }
0x19: {  	s22 =	sadd.s32 s0, s21;
	s21 =	sadd.s32 s0, s24;
	s24 =	sadd.s32 $0x27000, s1  }
0x1a: {  	s1 =	simm.s32 $0x8F80;
	s14 =	sadd.s32 s19, s3;
	s6 =	sshll.u32 s6, $0x4  }
0x1b: {  	s18 =	sadd.s32 s0, s26;
	s5 =	sadd.s32 s0, s5;
	[dreg:$0xa] =	wrdreg s22  }
0x1c: {  	s26 =	sshll.u32 s25, $0x4;
	s25 =	smax.u32 s15, $0x1;
	[dreg:$0x6] =	wrdreg s18  }
0x1d: {  	[dreg:$0x7] =	wrdreg s5;
	s19 =	sadd.s32 s0, s6;
	s5 =	sadd.s32 s0, s20  }
0x1e: {  	s20 =	sadd.s32 s0, s23;
	s22 =	sadd.s32 s0, s26;
	s23 =	sadd.s32 $0x138000, s3  }
0x1f: {  	s0 =	simm.s32 $0x50;
	s26 =	simm.s32 $0x4;
	[dreg:$0x8] =	wrdreg s19  }
0x20: {  	v0 =	vimm.f32 $0.0e+00;
	s6 =	simm.s32 $0x0;
	[dreg:$0x9] =	wrdreg s5;
	s5 =	simm.s32 $0x5  }
.LBB2_1:
0x21: {  	s15 =	rddreg [dreg:$0x4]  }
0x22: {  	[tilespmem:s4], [sflag:$0x1] =	stream.linear.gather [hbm4b:s15+s4], $0x2710, $0x38;
	[tilespmem:$0x1F000] =	vst v63  }
0x23: {  	s19 =	rddreg [dreg:$0x5];
	s16 =	simm.s32 $0x2780  }
0x24: {  	[tilespmem:s16], [sflag:$0x2] =	stream.linear.gather [hbm4b:s19+s4], $0x3E80, $0x38;
	[tilespmem:$0x1F000] =	vst v63  }
0x25: {  	s15 =	simm.s32 $0x70;
	s16 =	simm.s32 $0x3C0  }
.LBB2_2:
0x26: {  	p0 =	sne.s32 s16, $0x9FC0;
	[tilespmem:s15+$0x6780] =	vst v0  }
0x27: {  	[tilespmem:s15+$0x6710] =	vst v0  }
0x28: {  	[tilespmem:s15+$0x6720] =	vst v0  }
.Ltmp0:
0x29: {  	[tilespmem:s15+$0x6730] =	vst v0;
	(pc) =	sbr.rel @p0 .LBB2_2-.Ltmp0, $4  }
0x2a: {  	[tilespmem:s15+$0x6740] =	vst v0  }
0x2b: {  	[tilespmem:s15+$0x6750] =	vst v0  }
0x2c: {  	[tilespmem:s15+$0x6760] =	vst v0  }
0x2d: {  	[tilespmem:s15+$0x6770] =	vst v0;
	s15 =	sshra.s32 s16, $0x2;
	s16 =	sadd.s32 $0x200, s16  }
0x2e: {  	[tilespmem:s15+$0x6780] =	vst v0  }
0x2f: {  	[tilespmem:s15+$0x6710] =	vst v0  }
0x30: {  	[tilespmem:s15+$0x6720] =	vst v0  }
0x31: {  	[tilespmem:s15+$0x6730] =	vst v0  }
0x32: {  	[tilespmem:s15+$0x6740] =	vst v0  }
0x33: {  	[tilespmem:s15+$0x6750] =	vst v0  }
0x34: {  	[tilespmem:s15+$0x6760] =	vst v0  }
0x35: {  	[tilespmem:s15+$0x6770] =	vst v0  }
0x36: {  	[spmem:s7] =	stream.linear.scatter [tilespmem:s28], [sflag:$0x3], $0x2800, $0x38;
	[tilespmem:$0x1F000] =	vst v63  }
0x37: {  	_ = 	snop  }
0x38: {  	[spmem:s8] =	stream.linear.scatter [tilespmem:s28], [sflag:$0x3], $0x2800, $0x38;
	[tilespmem:$0x1F000] =	vst v63  }
0x39: {  	_ = 	snop  }
0x3a: {  	[spmem:s9] =	stream.linear.scatter [tilespmem:s28], [sflag:$0x3], $0x2800, $0x38;
	[tilespmem:$0x1F000] =	vst v63  }
0x3b: {  	_ = 	snop  }
0x3c: {  	[spmem:s10] =	stream.linear.scatter [tilespmem:s28], [sflag:$0x3], $0x2800, $0x38;
	[tilespmem:$0x1F000] =	vst v63  }
0x3d: {  	_ = 	snop  }
0x3e: {  	[spmem:s11] =	stream.linear.scatter [tilespmem:s28], [sflag:$0x3], $0x2800, $0x38;
	[tilespmem:$0x1F000] =	vst v63  }
0x3f: {  	_ =	swait.ge [sflag:s29], $0x2800  }
0x40: {  	[sflag:s29] =	ssyncset.done $0x0  }
0x41: {  	[sflag:s29] =	ssyncadd.s32 $0xFFFFD800  }
0x42: {  	_ =	swait.ge [sflag:s29], $0x2800  }
0x43: {  	[sflag:s29] =	ssyncset.done $0x0  }
0x44: {  	[sflag:s29] =	ssyncadd.s32 $0xFFFFD800  }
0x45: {  	_ =	swait.ge [sflag:s29], $0x2800  }
0x46: {  	[sflag:s29] =	ssyncset.done $0x0  }
0x47: {  	[sflag:s29] =	ssyncadd.s32 $0xFFFFD800  }
0x48: {  	_ =	swait.ge [sflag:s29], $0x2800  }
0x49: {  	[sflag:s29] =	ssyncset.done $0x0  }
0x4a: {  	[sflag:s29] =	ssyncadd.s32 $0xFFFFD800  }
0x4b: {  	_ =	swait.ge [sflag:s29], $0x2800  }
0x4c: {  	[sflag:s29] =	ssyncset.done $0x0  }
0x4d: {  	[sflag:s29] =	ssyncadd.s32 $0xFFFFD800  }
0x4e: {  	[spmem:s12] =	stream.linear.scatter [tilespmem:s28], [sflag:$0x3], $0x2800, $0x38;
	[tilespmem:$0x1F000] =	vst v63  }
0x4f: {  	_ = 	snop  }
0x50: {  	[spmem:s13] =	stream.linear.scatter [tilespmem:s28], [sflag:$0x3], $0x2800, $0x38;
	[tilespmem:$0x1F000] =	vst v63  }
0x51: {  	_ = 	snop  }
0x52: {  	[spmem:s14] =	stream.linear.scatter [tilespmem:s28], [sflag:$0x3], $0x2000, $0x38;
	[tilespmem:$0x1F000] =	vst v63  }
0x53: {  	_ = 	snop  }
0x54: {  	[spmem:s23] =	stream.linear.scatter [tilespmem:s28], [sflag:$0x3], $0x800, $0x38;
	[tilespmem:$0x1F000] =	vst v63  }
0x55: {  	_ =	swait.ge [sflag:s29], $0x2800  }
0x56: {  	[sflag:s29] =	ssyncset.done $0x0  }
0x57: {  	[sflag:s29] =	ssyncadd.s32 $0xFFFFD800  }
0x58: {  	_ =	swait.ge [sflag:s29], $0x2800  }
0x59: {  	[sflag:s29] =	ssyncset.done $0x0  }
0x5a: {  	[sflag:s29] =	ssyncadd.s32 $0xFFFFD800  }
0x5b: {  	_ =	swait.ge [sflag:s29], $0x2000  }
0x5c: {  	[sflag:s29] =	ssyncset.done $0x0  }
0x5d: {  	[sflag:s29] =	ssyncadd.s32 $0xFFFFE000  }
0x5e: {  	_ =	swait.ge [sflag:s29], $0x800  }
0x5f: {  	[sflag:s29] =	ssyncset.done $0x0  }
0x60: {  	[sflag:s29] =	ssyncadd.s32 $0xFFFFF800  }
0x61: {  	_ =	swait.ge [sflag:s30], $0x2710  }
0x62: {  	[sflag:s30] =	ssyncset.done $0x0  }
0x63: {  	[sflag:s30] =	ssyncadd.s32 $0xFFFFD8F0  }
0x64: {  	_ =	swait.ge [sflag:s31], $0x3E80  }
0x65: {  	[sflag:s31] =	ssyncset.done $0x0  }
0x66: {  	[sflag:s31] =	ssyncadd.s32 $0xFFFFC180  }
0x67: {  	s16 =	simm.s32 $0x0;
	[bflag:$0x0] =	sbarrier.arrive $0xFFFF  }
0x68: {  	[tilespmem:s28], [sflag:$0x1] =	stream.indirect.gather [hbm4b:s2+s0], $0x80, s16, s0, $0xb8;
	[tilespmem:$0x1F000] =	vst v63  }
0x69: {  	_ = 	snop  }
0x6a: {  	[tilespmem:s1], [sflag:$0x2] =	stream.indirect.gather [hbm4b:s2+s0], $0x80, s0, s0, $0xb8;
	[tilespmem:$0x1F000] =	vst v63  }
0x6b: {  	_ =	swait.ge [sflag:s30], $0x2800  }
0x6c: {  	[sflag:s30] =	ssyncset.done $0x0  }
0x6d: {  	s17 =	simm.s32 $0x2780;
	[sflag:s30] =	ssyncadd.s32 $0xFFFFD800  }
0x6e: {  	[spmem:s3] =	stream.indirect.scatter.add.f32 [tilespmem:s28], [sflag:$0x3], $0x80, s17, s0, $0xb8;
	[tilespmem:$0x1F000] =	vst v63  }
0x6f: {  	_ =	swait.ge [sflag:s31], $0x2800  }
0x70: {  	[sflag:s31] =	ssyncset.done $0x0  }
0x71: {  	[sflag:s31] =	ssyncadd.s32 $0xFFFFD800  }
0x72: {  	_ =	swait.ge [sflag:s29], $0x2800  }
0x73: {  	[sflag:s29] =	ssyncset.done $0x0  }
0x74: {  	s18 =	simm.s32 $0x2800;
	[sflag:s29] =	ssyncadd.s32 $0xFFFFD800  }
0x75: {  	[spmem:s3] =	stream.indirect.scatter.add.f32 [tilespmem:s1], [sflag:$0x4], $0x80, s18, s0, $0xb8;
	[tilespmem:$0x1F000] =	vst v63  }
0x76: {  	s19 =	simm.s32 $0xA0  }
0x77: {  	[tilespmem:s28], [sflag:$0x1] =	stream.indirect.gather [hbm4b:s2+s0], $0x80, s19, s0, $0xb8;
	[tilespmem:$0x1F000] =	vst v63  }
0x78: {  	_ =	swait.ge [sflag:s26], $0x2800  }
0x79: {  	s15 =	simm.s32 $0xF0;
	[sflag:s26] =	ssyncset.done $0x0  }
0x7a: {  	s16 =	simm.s32 $0x400;
	s17 =	simm.s32 $0x190;
	[sflag:s26] =	ssyncadd.s32 $0xFFFFD800  }
.LBB2_4:
0x7b: {  	[tilespmem:s1], [sflag:$0x2] =	stream.indirect.gather [hbm4b:s2+s0], $0x80, s15, s0, $0xb8;
	[tilespmem:$0x1F000] =	vst v63  }
0x7c: {  	s18 =	smov.u32 s16;
	s15 =	smov.u32 s17  }
0x7d: {  	p0 =	sne.s32 s16, $0xF000;
	s16 =	sadd.s32 $0x400, s16;
	_ =	swait.ge [sflag:s30], $0x2800  }
0x7e: {  	s18 =	sshra.s32 s18, $0x2;
	[sflag:s30] =	ssyncset.done $0x0  }
0x7f: {  	s19 =	sadd.s32 $0x2780, s18;
	[sflag:s30] =	ssyncadd.s32 $0xFFFFD800  }
0x80: {  	[spmem:s3] =	stream.indirect.scatter.add.f32 [tilespmem:s28], [sflag:$0x3], $0x80, s19, s0, $0xb8;
	[tilespmem:$0x1F000] =	vst v63  }
0x81: {  	_ =	swait.ge [sflag:s31], $0x2800  }
0x82: {  	[sflag:s31] =	ssyncset.done $0x0  }
0x83: {  	[sflag:s31] =	ssyncadd.s32 $0xFFFFD800  }
0x84: {  	_ =	swait.ge [sflag:s29], $0x2800  }
0x85: {  	[sflag:s29] =	ssyncset.done $0x0  }
0x86: {  	s18 =	sadd.s32 $0x2800, s18;
	[sflag:s29] =	ssyncadd.s32 $0xFFFFD800  }
0x87: {  	[spmem:s3] =	stream.indirect.scatter.add.f32 [tilespmem:s1], [sflag:$0x4], $0x80, s18, s0, $0xb8;
	[tilespmem:$0x1F000] =	vst v63  }
.Ltmp1:
0x88: {  	s18 =	sadd.s32 $0xFFFFFFB0, s17;
	(pc) =	sbr.rel @p0 .LBB2_4-.Ltmp1, $4  }
0x89: {  	[tilespmem:s28], [sflag:$0x1] =	stream.indirect.gather [hbm4b:s2+s0], $0x80, s18, s0, $0xb8;
	[tilespmem:$0x1F000] =	vst v63  }
0x8a: {  	_ =	swait.ge [sflag:s26], $0x2800  }
0x8b: {  	[sflag:s26] =	ssyncset.done $0x0  }
0x8c: {  	s17 =	sadd.s32 $0xA0, s17;
	[sflag:s26] =	ssyncadd.s32 $0xFFFFD800  }
0x8d: {  	[tilespmem:s1], [sflag:$0x2] =	stream.indirect.gather [hbm4b:s2+s0], $0x80, s15, s0, $0xb8;
	[tilespmem:$0x1F000] =	vst v63  }
0x8e: {  	_ =	swait.ge [sflag:s30], $0x2800  }
0x8f: {  	[sflag:s30] =	ssyncset.done $0x0  }
0x90: {  	s19 =	simm.s32 $0x6480;
	[sflag:s30] =	ssyncadd.s32 $0xFFFFD800  }
0x91: {  	[spmem:s3] =	stream.indirect.scatter.add.f32 [tilespmem:s28], [sflag:$0x3], $0x80, s19, s0, $0xb8;
	[tilespmem:$0x1F000] =	vst v63  }
0x92: {  	_ =	swait.ge [sflag:s31], $0x2800  }
0x93: {  	[sflag:s31] =	ssyncset.done $0x0  }
0x94: {  	[sflag:s31] =	ssyncadd.s32 $0xFFFFD800  }
0x95: {  	_ =	swait.ge [sflag:s29], $0x2800  }
0x96: {  	[sflag:s29] =	ssyncset.done $0x0  }
0x97: {  	s16 =	simm.s32 $0x6500;
	[sflag:s29] =	ssyncadd.s32 $0xFFFFD800  }
0x98: {  	[spmem:s3] =	stream.indirect.scatter.add.f32 [tilespmem:s1], [sflag:$0x4], $0x80, s16, s0, $0xb8;
	[tilespmem:$0x1F000] =	vst v63  }
0x99: {  	s17 =	simm.s32 $0x26C0  }
0x9a: {  	[tilespmem:s28], [sflag:$0x1] =	stream.indirect.gather [hbm4b:s2+s0], $0x80, s17, s0, $0xb8;
	[tilespmem:$0x1F000] =	vst v63  }
0x9b: {  	_ =	swait.ge [sflag:s26], $0x2800  }
0x9c: {  	[sflag:s26] =	ssyncset.done $0x0  }
0x9d: {  	[sflag:s26] =	ssyncadd.s32 $0xFFFFD800  }
0x9e: {  	_ =	swait.ge [sflag:s30], $0x2800  }
0x9f: {  	[sflag:s30] =	ssyncset.done $0x0  }
0xa0: {  	s18 =	simm.s32 $0x6580;
	[sflag:s30] =	ssyncadd.s32 $0xFFFFD800  }
0xa1: {  	[spmem:s3] =	stream.indirect.scatter.add.f32 [tilespmem:s28], [sflag:$0x3], $0x80, s18, s0, $0xb8;
	[tilespmem:$0x1F000] =	vst v63  }
0xa2: {  	_ =	swait.ge [sflag:s29], $0x2800  }
0xa3: {  	[sflag:s29] =	ssyncset.done $0x0  }
0xa4: {  	[sflag:s29] =	ssyncadd.s32 $0xFFFFD800  }
0xa5: {  	[bflag:$0x0] =	sbarrier.arrive $0xFFFF  }
0xa6: {  	[tilespmem:s28], [sflag:$0x5] =	stream.linear.gather [spmem:s7], $0x2800, $0x38;
	[tilespmem:$0x1F000] =	vst v63  }
0xa7: {  	_ =	swait.ge [sflag:s5], $0x2800  }
0xa8: {  	[sflag:s5] =	ssyncset.done $0x0  }
0xa9: {  	s19 =	rddreg [dreg:$0x6];
	[sflag:s5] =	ssyncadd.s32 $0xFFFFD800  }
0xaa: {  	[hbm4b:s19+s4] =	stream.linear.scatter [tilespmem:s28], [sflag:$0x3], $0x2800, $0x38;
	[tilespmem:$0x1F000] =	vst v63  }
0xab: {  	_ = 	snop  }
0xac: {  	[tilespmem:s1], [sflag:$0x5] =	stream.linear.gather [spmem:s8], $0x2800, $0x38;
	[tilespmem:$0x1F000] =	vst v63  }
0xad: {  	_ =	swait.ge [sflag:s5], $0x2800  }
0xae: {  	[sflag:s5] =	ssyncset.done $0x0  }
0xaf: {  	s16 =	rddreg [dreg:$0x7];
	[sflag:s5] =	ssyncadd.s32 $0xFFFFD800  }
0xb0: {  	[hbm4b:s16+s4] =	stream.linear.scatter [tilespmem:s1], [sflag:$0x4], $0x2800, $0x38;
	[tilespmem:$0x1F000] =	vst v63  }
0xb1: {  	_ =	swait.ge [sflag:s29], $0x2800  }
0xb2: {  	[sflag:s29] =	ssyncset.done $0x0  }
0xb3: {  	[sflag:s29] =	ssyncadd.s32 $0xFFFFD800  }
0xb4: {  	[tilespmem:s28], [sflag:$0x5] =	stream.linear.gather [spmem:s9], $0x2800, $0x38;
	[tilespmem:$0x1F000] =	vst v63  }
0xb5: {  	_ =	swait.ge [sflag:s5], $0x2800  }
0xb6: {  	[sflag:s5] =	ssyncset.done $0x0  }
0xb7: {  	s17 =	rddreg [dreg:$0x8];
	[sflag:s5] =	ssyncadd.s32 $0xFFFFD800  }
0xb8: {  	[hbm4b:s17+s4] =	stream.linear.scatter [tilespmem:s28], [sflag:$0x3], $0x2800, $0x38;
	[tilespmem:$0x1F000] =	vst v63  }
0xb9: {  	_ =	swait.ge [sflag:s26], $0x2800  }
0xba: {  	[sflag:s26] =	ssyncset.done $0x0  }
0xbb: {  	[sflag:s26] =	ssyncadd.s32 $0xFFFFD800  }
0xbc: {  	[tilespmem:s1], [sflag:$0x5] =	stream.linear.gather [spmem:s10], $0x2800, $0x38;
	[tilespmem:$0x1F000] =	vst v63  }
0xbd: {  	_ =	swait.ge [sflag:s5], $0x2800  }
0xbe: {  	[sflag:s5] =	ssyncset.done $0x0  }
0xbf: {  	s18 =	rddreg [dreg:$0x9];
	[sflag:s5] =	ssyncadd.s32 $0xFFFFD800  }
0xc0: {  	[hbm4b:s18+s4] =	stream.linear.scatter [tilespmem:s1], [sflag:$0x4], $0x2800, $0x38;
	[tilespmem:$0x1F000] =	vst v63  }
0xc1: {  	_ =	swait.ge [sflag:s29], $0x2800  }
0xc2: {  	[sflag:s29] =	ssyncset.done $0x0  }
0xc3: {  	[sflag:s29] =	ssyncadd.s32 $0xFFFFD800  }
0xc4: {  	[tilespmem:s28], [sflag:$0x5] =	stream.linear.gather [spmem:s11], $0x2800, $0x38;
	[tilespmem:$0x1F000] =	vst v63  }
0xc5: {  	_ =	swait.ge [sflag:s5], $0x2800  }
0xc6: {  	[sflag:s5] =	ssyncset.done $0x0  }
0xc7: {  	s19 =	rddreg [dreg:$0xa];
	[sflag:s5] =	ssyncadd.s32 $0xFFFFD800  }
0xc8: {  	[hbm4b:s19+s4] =	stream.linear.scatter [tilespmem:s28], [sflag:$0x3], $0x2800, $0x38;
	[tilespmem:$0x1F000] =	vst v63  }
0xc9: {  	_ =	swait.ge [sflag:s26], $0x2800  }
0xca: {  	[sflag:s26] =	ssyncset.done $0x0  }
0xcb: {  	[sflag:s26] =	ssyncadd.s32 $0xFFFFD800  }
0xcc: {  	[tilespmem:s1], [sflag:$0x5] =	stream.linear.gather [spmem:s12], $0x2800, $0x38;
	[tilespmem:$0x1F000] =	vst v63  }
0xcd: {  	_ =	swait.ge [sflag:s5], $0x2800  }
0xce: {  	[sflag:s5] =	ssyncset.done $0x0  }
0xcf: {  	[sflag:s5] =	ssyncadd.s32 $0xFFFFD800  }
0xd0: {  	[hbm4b:s20+s4] =	stream.linear.scatter [tilespmem:s1], [sflag:$0x4], $0x2800, $0x38;
	[tilespmem:$0x1F000] =	vst v63  }
0xd1: {  	_ =	swait.ge [sflag:s29], $0x2800  }
0xd2: {  	[sflag:s29] =	ssyncset.done $0x0  }
0xd3: {  	[sflag:s29] =	ssyncadd.s32 $0xFFFFD800  }
0xd4: {  	[tilespmem:s28], [sflag:$0x5] =	stream.linear.gather [spmem:s13], $0x2800, $0x38;
	[tilespmem:$0x1F000] =	vst v63  }
0xd5: {  	_ =	swait.ge [sflag:s5], $0x2800  }
0xd6: {  	[sflag:s5] =	ssyncset.done $0x0  }
0xd7: {  	[sflag:s5] =	ssyncadd.s32 $0xFFFFD800  }
0xd8: {  	[hbm4b:s21+s4] =	stream.linear.scatter [tilespmem:s28], [sflag:$0x3], $0x2800, $0x38;
	[tilespmem:$0x1F000] =	vst v63  }
0xd9: {  	_ =	swait.ge [sflag:s26], $0x2800  }
0xda: {  	[sflag:s26] =	ssyncset.done $0x0  }
0xdb: {  	[sflag:s26] =	ssyncadd.s32 $0xFFFFD800  }
0xdc: {  	[tilespmem:s1], [sflag:$0x5] =	stream.linear.gather [spmem:s14], $0x2000, $0x38;
	[tilespmem:$0x1F000] =	vst v63  }
0xdd: {  	_ =	swait.ge [sflag:s5], $0x2000  }
0xde: {  	[sflag:s5] =	ssyncset.done $0x0  }
0xdf: {  	[sflag:s5] =	ssyncadd.s32 $0xFFFFE000  }
0xe0: {  	[hbm4b:s22+s4] =	stream.linear.scatter [tilespmem:s1], [sflag:$0x4], $0x2000, $0x38;
	[tilespmem:$0x1F000] =	vst v63  }
0xe1: {  	_ =	swait.ge [sflag:s29], $0x2800  }
0xe2: {  	[sflag:s29] =	ssyncset.done $0x0  }
0xe3: {  	[sflag:s29] =	ssyncadd.s32 $0xFFFFD800  }
0xe4: {  	[tilespmem:s28], [sflag:$0x5] =	stream.linear.gather [spmem:s23], $0x800, $0x38;
	[tilespmem:$0x1F000] =	vst v63  }
0xe5: {  	_ =	swait.ge [sflag:s5], $0x800  }
0xe6: {  	[sflag:s5] =	ssyncset.done $0x0  }
0xe7: {  	s6 =	sadd.s32 $0x1, s6;
	[sflag:s5] =	ssyncadd.s32 $0xFFFFF800  }
0xe8: {  	[hbm4b:s24+s4] =	stream.linear.scatter [tilespmem:s28], [sflag:$0x3], $0x800, $0x38;
	[tilespmem:$0x1F000] =	vst v63  }
0xe9: {  	p0 =	sne.s32 s6, s25;
	_ =	swait.ge [sflag:s29], $0x800  }
.Ltmp2:
0xea: {  	[sflag:s29] =	ssyncset.done $0x0;
	(pc) =	sbr.rel @p0 .LBB2_1-.Ltmp2, $4  }
0xeb: {  	[sflag:s29] =	ssyncadd.s32 $0xFFFFF800  }
0xec: {  	_ =	swait.ge [sflag:s26], $0x2000  }
0xed: {  	[sflag:s26] =	ssyncset.done $0x0  }
0xee: {  	[sflag:s26] =	ssyncadd.s32 $0xFFFFE000  }
0xef: {  	_ =	sfence.sel $0x180000  }
0xf0: {  	[bflag:$0x0] =	sbarrier.arrive $0xFFFF  }
0xf1: {  	_ =	strace $0x9000004A  }
0xf2: {  	s0 =	stileid.u32;
	[bflag:$0x2] =	sbarrier.arrive $0xFFFF  }
0xf3: {  	p0 =	sne.s32 s0, $0x0;
	s0 =	rddreg [dreg:$0x3]  }
0xf4: {  	s0 =	sadd.s32 @!p0 $0x100000, s0  }
0xf5: {  	[sflag:s0] =	ssyncadd.tile.s32 @!p0 $0x1;
	_ =	shalt  }
.Lfunc_end2:
_tile_overlayer_lowered:
.L_overlay_start_2:
0xf6: {  	(tag) =	ssettag $0x2  }
0xf7: {  	s0 =	rddreg [dreg:$0x0];
	s2 =	stileid.u32  }
0xf8: {  	s1 =	rddreg [dreg:$0x1];
	p0 =	sne.s32 s2, $0x0  }
0xf9: {  	s3 =	rddreg [dreg:$0x2];
	[bflag:$0x3] =	sbarrier.arrive $0xFFFF;
	s2 =	simm.s32 @!p0 $0x1C05  }
0xfa: {  	[timem:s3], [sflag:s2] =	dma.local @!p0 [hbm:s0], s1  }
0xfb: {  	s0 =	simm.s32 @!p0 $0x5  }
0xfc: {  	_ =	swait.ge @!p0 [sflag:s0], s1  }
0xfd: {  	s1 =	ssub.s32 @!p0 $0x0, s1;
	[sflag:s0] =	ssyncset.done @!p0 $0x0  }
0xfe: {  	[sflag:s0] =	ssyncadd.s32 @!p0 s1  }
0xff: {  	[bflag:$0x3] =	sbarrier.arrive $0xFFFF  }
0x100: {  	_ =	shalt  }

</sc_bundles>
